<compile_context>
chip_gen: v7x
topology: tpu7x:2x2x1
jax: 0.10.2.dev20260603
libtpu: 0.0.44.dev20260713+nightly
codegen_flags: <defaults>
</compile_context>

<pallas_src>
import functools

import jax
import jax.numpy as jnp
from jax import lax
from jax.experimental import pallas as pl
from jax.experimental.pallas import tpu as pltpu
from jax.experimental.pallas import tpu_sc as plsc

N = 10000
D = 128
E = 320000
NPAD = 10240
NC, NS = 2, 16
NW = NC * NS
CHUNK = 120
NCHUNK = 84
EPW = CHUNK * NCHUNK
EPAD = NW * EPW - E
ROWS_PER_TILE = NPAD // NS

_mesh = plsc.VectorSubcoreMesh(core_axis_name="c", subcore_axis_name="s")


@functools.partial(
    pl.kernel,
    out_type=jax.ShapeDtypeStruct((NC, NPAD), jnp.float32),
    mesh=_mesh,
    scratch_types=[
        pltpu.VMEM((2, CHUNK), jnp.int32),
        pltpu.VMEM((2, CHUNK), jnp.int32),
        pltpu.VMEM((2, CHUNK), jnp.int32),
        pltpu.VMEM((128,), jnp.float32),
        pltpu.VMEM_SHARED((NPAD,), jnp.float32),
        pltpu.SemaphoreType.DMA,
        pltpu.SemaphoreType.DMA,
        pltpu.SemaphoreType.DMA,
        pltpu.SemaphoreType.DMA,
    ],
)
def _deg_kernel(ei_hbm, z1_hbm, out_hbm, idx0, idx1, idx2, onesv, acc,
                si0, si1, si2, semz):
    c = lax.axis_index("c")
    s = lax.axis_index("s")
    ch0 = (c * NS + s) * NCHUNK
    pltpu.async_copy(z1_hbm, acc.at[pl.ds(s * ROWS_PER_TILE, ROWS_PER_TILE)],
                     semz)
    pltpu.async_copy(ei_hbm.at[ch0], idx0, si0)
    pltpu.async_copy(ei_hbm.at[ch0 + 1], idx1, si1)
    pltpu.async_copy(ei_hbm.at[ch0 + 2], idx2, si2)
    for j in range(128 // 16):
        onesv[pl.ds(16 * j, 16)] = jnp.ones((16,), jnp.float32)
    pltpu.make_async_copy(
        z1_hbm, acc.at[pl.ds(s * ROWS_PER_TILE, ROWS_PER_TILE)], semz).wait()
    plsc.subcore_barrier()

    def halfstep(i, idxb, sib):
        pltpu.make_async_copy(ei_hbm.at[ch0 + i], idxb, sib).wait()
        pltpu.sync_copy(onesv.at[pl.ds(0, CHUNK)], acc.at[idxb.at[1]],
                        add=True)

        @pl.when(i + 3 < NCHUNK)
        def _():
            pltpu.async_copy(ei_hbm.at[ch0 + i + 3], idxb, sib)

    def step(j, _):
        halfstep(3 * j, idx0, si0)
        halfstep(3 * j + 1, idx1, si1)
        halfstep(3 * j + 2, idx2, si2)
        return ()

    lax.fori_loop(0, NCHUNK // 3, step, ())
    plsc.subcore_barrier()
    r0 = s * ROWS_PER_TILE
    pltpu.sync_copy(acc.at[pl.ds(r0, ROWS_PER_TILE)],
                    out_hbm.at[c, pl.ds(r0, ROWS_PER_TILE)])


@functools.partial(
    pl.kernel,
    out_type=jax.ShapeDtypeStruct((NC, NPAD, D), jnp.float32),
    mesh=_mesh,
    scratch_types=[
        pltpu.VMEM((2, CHUNK), jnp.int32),
        pltpu.VMEM((2, CHUNK), jnp.int32),
        pltpu.VMEM((2, CHUNK), jnp.int32),
        pltpu.VMEM((CHUNK, D), jnp.float32),
        pltpu.VMEM((CHUNK, D), jnp.float32),
        pltpu.VMEM((CHUNK, D), jnp.float32),
        pltpu.VMEM_SHARED((NPAD, D), jnp.float32),
        pltpu.SemaphoreType.DMA,
        pltpu.SemaphoreType.DMA,
        pltpu.SemaphoreType.DMA,
        pltpu.SemaphoreType.DMA,
        pltpu.SemaphoreType.DMA,
        pltpu.SemaphoreType.DMA,
        pltpu.SemaphoreType.DMA,
    ],
)
def _scatter_kernel(g_hbm, ei_hbm, z2_hbm, out_hbm,
                    idx0, idx1, idx2, rows0, rows1, rows2, acc,
                    sg0, sg1, sg2, si0, si1, si2, semz):
    c = lax.axis_index("c")
    s = lax.axis_index("s")
    ch0 = (c * NS + s) * NCHUNK
    for j in range(ROWS_PER_TILE // 128):
        pltpu.async_copy(
            z2_hbm, acc.at[pl.ds(s * ROWS_PER_TILE + j * 128, 128), :], semz)
    pltpu.async_copy(ei_hbm.at[ch0], idx0, si0)
    pltpu.async_copy(ei_hbm.at[ch0 + 1], idx1, si1)
    pltpu.async_copy(ei_hbm.at[ch0 + 2], idx2, si2)
    pltpu.make_async_copy(ei_hbm.at[ch0], idx0, si0).wait()
    pltpu.async_copy(g_hbm.at[idx0.at[0]], rows0, sg0)
    pltpu.make_async_copy(ei_hbm.at[ch0 + 1], idx1, si1).wait()
    pltpu.async_copy(g_hbm.at[idx1.at[0]], rows1, sg1)
    for j in range(ROWS_PER_TILE // 128):
        pltpu.make_async_copy(
            z2_hbm, acc.at[pl.ds(s * ROWS_PER_TILE + j * 128, 128), :],
            semz).wait()
    plsc.subcore_barrier()

    def halfstep(i, idxb, rowsb, sgb, sib, idx2b, rows2b, sg2b, si2b):
        pltpu.make_async_copy(g_hbm.at[idxb.at[0]], rowsb, sgb).wait()

        @pl.when(i + 2 < NCHUNK)
        def _():
            pltpu.make_async_copy(ei_hbm.at[ch0 + i + 2], idx2b, si2b).wait()
            pltpu.async_copy(g_hbm.at[idx2b.at[0]], rows2b, sg2b)

        pltpu.sync_copy(rowsb, acc.at[idxb.at[1]], add=True)

        @pl.when(i + 3 < NCHUNK)
        def _():
            pltpu.async_copy(ei_hbm.at[ch0 + i + 3], idxb, sib)

    def step(j, _):
        i0 = 3 * j
        halfstep(i0, idx0, rows0, sg0, si0, idx2, rows2, sg2, si2)
        halfstep(i0 + 1, idx1, rows1, sg1, si1, idx0, rows0, sg0, si0)
        halfstep(i0 + 2, idx2, rows2, sg2, si2, idx1, rows1, sg1, si1)
        return ()

    lax.fori_loop(0, NCHUNK // 3, step, ())
    plsc.subcore_barrier()
    r0 = s * ROWS_PER_TILE
    pltpu.sync_copy(acc.at[pl.ds(r0, ROWS_PER_TILE), :],
                    out_hbm.at[c, pl.ds(r0, ROWS_PER_TILE), :])


_RB = 5120
_GRID = (N + _RB - 1) // _RB


def _dense1_body(x_ref, w_ref, d0_ref, d1_ref, g_ref):
    dis = lax.rsqrt(d0_ref[...] + d1_ref[...] + 1.0)
    h = jnp.dot(x_ref[...], w_ref[...], preferred_element_type=jnp.float32)
    g_ref[...] = h * dis[:, None]


def _dense2_body(a_ref, g_ref, d0_ref, d1_ref, b_ref, w_ref, out_ref):
    dis = lax.rsqrt(d0_ref[...] + d1_ref[...] + 1.0)
    z = dis[:, None] * (a_ref[0] + a_ref[1] + g_ref[...]) + b_ref[...][None, :]
    z = jnp.maximum(z, 0.0)
    out_ref[...] = jnp.dot(z, w_ref[...],
                           preferred_element_type=jnp.float32) * dis[:, None]


def _dense3_body(a_ref, g_ref, d0_ref, d1_ref, b_ref, out_ref):
    dis = lax.rsqrt(d0_ref[...] + d1_ref[...] + 1.0)
    out_ref[...] = (dis[:, None] * (a_ref[0] + a_ref[1] + g_ref[...])
                    + b_ref[...][None, :])


_row_spec = pl.BlockSpec((_RB, D), lambda i: (i, 0))
_deg_spec = pl.BlockSpec((_RB,), lambda i: (i,))
_a_spec = pl.BlockSpec((NC, _RB, D), lambda i: (0, i, 0))
_w_spec = pl.BlockSpec((D, D), lambda i: (0, 0))
_b_spec = pl.BlockSpec((D,), lambda i: (0,))

_dense1 = pl.pallas_call(
    _dense1_body,
    grid=_GRID,
    in_specs=[_row_spec, _w_spec, _deg_spec, _deg_spec],
    out_specs=_row_spec,
    out_shape=jax.ShapeDtypeStruct((N, D), jnp.float32),
)

_dense2 = pl.pallas_call(
    _dense2_body,
    grid=_GRID,
    in_specs=[_a_spec, _row_spec, _deg_spec, _deg_spec, _b_spec, _w_spec],
    out_specs=_row_spec,
    out_shape=jax.ShapeDtypeStruct((N, D), jnp.float32),
)

_dense3 = pl.pallas_call(
    _dense3_body,
    grid=_GRID,
    in_specs=[_a_spec, _row_spec, _deg_spec, _deg_spec, _b_spec],
    out_specs=_row_spec,
    out_shape=jax.ShapeDtypeStruct((N, D), jnp.float32),
)


def kernel(x, edge_index, W1, b1, W2, b2):
    ppw = EPAD // NW
    srcw = edge_index[0].astype(jnp.int32).reshape(NW, E // NW)
    dstw = edge_index[1].astype(jnp.int32).reshape(NW, E // NW)
    pad_src = jnp.broadcast_to(jnp.arange(ppw, dtype=jnp.int32), (NW, ppw))
    pad_dst = jnp.broadcast_to(N + jnp.arange(ppw, dtype=jnp.int32),
                               (NW, ppw))
    src = jnp.concatenate([srcw, pad_src], axis=1).reshape(NW * NCHUNK, CHUNK)
    dst = jnp.concatenate([dstw, pad_dst], axis=1).reshape(NW * NCHUNK, CHUNK)
    ei = jnp.stack([src, dst], axis=1)
    z1 = jnp.zeros((ROWS_PER_TILE,), jnp.float32)
    z2 = jnp.zeros((128, D), jnp.float32)

    degs = _deg_kernel(ei, z1)
    d0, d1 = degs[0], degs[1]

    g1 = _dense1(x, W1, d0, d1)
    a1 = _scatter_kernel(g1, ei, z2)
    g2 = _dense2(a1, g1, d0, d1, b1, W2)
    a2 = _scatter_kernel(g2, ei, z2)
    out = _dense3(a2, g2, d0, d1, b2)
    return out

# --- scband reference (transcript-rebuilt; emitter-appended) ---
"""Pipeline reference for scband-gnnenocder-13271448945097 (READ-ONLY COPY).

The authoritative reference and input builder live on the scoring server;
editing this copy changes nothing except your own understanding.
"""

import jax, jax.numpy as jnp
import numpy as np

N_NODES = 10000
D = 128
N_EDGES = 320000


def setup_inputs(seed: int = 0) -> dict:
    key = jax.random.key(seed)
    k1, k2, k3, k4, k5, k6 = jax.random.split(key, 6)
    x = jax.random.normal(k1, (N_NODES, D), dtype=jnp.float32)
    edge_index = jax.random.randint(k2, (2, N_EDGES), 0, N_NODES, dtype=jnp.int64)
    # GCN layer parameters (num_layers=2): W [in,out], bias [out]
    W1 = jax.random.normal(k3, (D, D), dtype=jnp.float32) * (1.0 / np.sqrt(D))
    b1 = jnp.zeros((D,), dtype=jnp.float32)
    W2 = jax.random.normal(k4, (D, D), dtype=jnp.float32) * (1.0 / np.sqrt(D))
    b2 = jnp.zeros((D,), dtype=jnp.float32)
    return {"x": x, "edge_index": edge_index, "W1": W1, "b1": b1, "W2": W2, "b2": b2}


def _gcn_conv(x, src, dst, norm, W, b, num_nodes):
    # x' = D^{-1/2} (A + I) D^{-1/2} (x W) + b
    h = x @ W
    msg = jnp.take(h, src, axis=0) * norm[:, None]
    out = jnp.zeros((num_nodes, h.shape[1]), dtype=h.dtype).at[dst].add(msg)
    return out + b


def _build_norm(edge_index, num_nodes):
    # add self loops (self_loop=True)
    loop = jnp.arange(num_nodes, dtype=edge_index.dtype)
    src = jnp.concatenate([edge_index[0], loop])
    dst = jnp.concatenate([edge_index[1], loop])
    deg = jnp.zeros((num_nodes,), dtype=jnp.float32).at[dst].add(1.0)
    deg_inv_sqrt = 1.0 / jnp.sqrt(jnp.clip(deg, 1.0, None))
    norm = deg_inv_sqrt[src] * deg_inv_sqrt[dst]
    return src, dst, norm


def reference(x, edge_index, W1, b1, W2, b2):
    num_nodes = x.shape[0]
    src, dst, norm = _build_norm(edge_index, num_nodes)
    # layer 1 + relu (dropout p=0.0 -> identity; pairnorm_mode=None)
    h = _gcn_conv(x, src, dst, norm, W1, b1, num_nodes)
    h = jax.nn.relu(h)
    # layer 2 (final, no activation)
    out = _gcn_conv(h, src, dst, norm, W2, b2, num_nodes)
    return out

if __name__ == "__main__":
    import jax
    _d = setup_inputs()
    print(jax.jit(kernel)(*tuple(_d.values())))

</pallas_src>

<mosaic_0001>
#map = affine_map<(d0, d1) -> (0, 0)>
#map1 = affine_map<(d0, d1) -> (0, 0, 0)>
module attributes {stable_mosaic.version = 14 : i64} {
  func.func @_scatter_kernel(%arg0: i32, %arg1: i32, %arg2: memref<10000x128xf32, #tpu.memory_space<hbm>>, %arg3: memref<2688x2x120xi32, #tpu.memory_space<hbm>>, %arg4: memref<128x128xf32, #tpu.memory_space<hbm>>, %arg5: memref<2x10240x128xf32, #tpu.memory_space<hbm>>, %arg6: memref<2x120xi32, #tpu.memory_space<vmem>>, %arg7: memref<2x120xi32, #tpu.memory_space<vmem>>, %arg8: memref<2x120xi32, #tpu.memory_space<vmem>>, %arg9: memref<120x128xf32, #tpu.memory_space<vmem>>, %arg10: memref<120x128xf32, #tpu.memory_space<vmem>>, %arg11: memref<120x128xf32, #tpu.memory_space<vmem>>, %arg12: memref<10240x128xf32, #tpu.memory_space<vmem_shared>>, %arg13: memref<!tpu.dma_semaphore, #tpu.memory_space<semaphore_mem>>, %arg14: memref<!tpu.dma_semaphore, #tpu.memory_space<semaphore_mem>>, %arg15: memref<!tpu.dma_semaphore, #tpu.memory_space<semaphore_mem>>, %arg16: memref<!tpu.dma_semaphore, #tpu.memory_space<semaphore_mem>>, %arg17: memref<!tpu.dma_semaphore, #tpu.memory_space<semaphore_mem>>, %arg18: memref<!tpu.dma_semaphore, #tpu.memory_space<semaphore_mem>>, %arg19: memref<!tpu.dma_semaphore, #tpu.memory_space<semaphore_mem>>) attributes {dimension_semantics = [#tpu.dimension_semantics<core_parallel>, #tpu.dimension_semantics<subcore_parallel>], iteration_bounds = array<i64: 2, 16>, scalar_prefetch = 0 : i64, scratch_operands = 14 : i64, tpu.core_type = #tpu.core_type<sc_vector_subcore>, window_params = [{transform_indices = #map}, {transform_indices = #map1}, {transform_indices = #map}, {transform_indices = #map1}]} {
    %mul3A = arith.constant 16 : i32
    %mul3A_0 = arith.muli %arg0, %mul3A : i32
    %add3A = arith.addi %mul3A_0, %arg1 : i32
    %mul3A_1 = arith.constant 84 : i32
    %mul3A_2 = arith.muli %add3A, %mul3A_1 : i32
    %mul3A_3 = arith.constant 640 : i32
    %mul3A_4 = arith.muli %arg1, %mul3A_3 : i32
    %add3A_5 = arith.constant 0 : i32
    %add3A_6 = arith.addi %mul3A_4, %add3A_5 : i32
    %dma_start3A = arith.constant 0 : i32
    %dma_start3A_7 = tpu.memref_slice %arg12[%add3A_6, %dma_start3A] : memref<10240x128xf32, #tpu.memory_space<vmem_shared>> -> memref<128x128xf32, #tpu.memory_space<vmem_shared>>
    tpu.enqueue_dma source(%arg4 : memref<128x128xf32, #tpu.memory_space<hbm>>) target(%dma_start3A_7 : memref<128x128xf32, #tpu.memory_space<vmem_shared>>) target_semaphore(%arg19 : memref<!tpu.dma_semaphore, #tpu.memory_space<semaphore_mem>>)
    %mul3A_8 = arith.constant 640 : i32
    %mul3A_9 = arith.muli %arg1, %mul3A_8 : i32
    %add3A_10 = arith.constant 128 : i32
    %add3A_11 = arith.addi %mul3A_9, %add3A_10 : i32
    %dma_start3A_12 = arith.constant 0 : i32
    %dma_start3A_13 = tpu.memref_slice %arg12[%add3A_11, %dma_start3A_12] : memref<10240x128xf32, #tpu.memory_space<vmem_shared>> -> memref<128x128xf32, #tpu.memory_space<vmem_shared>>
    tpu.enqueue_dma source(%arg4 : memref<128x128xf32, #tpu.memory_space<hbm>>) target(%dma_start3A_13 : memref<128x128xf32, #tpu.memory_space<vmem_shared>>) target_semaphore(%arg19 : memref<!tpu.dma_semaphore, #tpu.memory_space<semaphore_mem>>)
    %mul3A_14 = arith.constant 640 : i32
    %mul3A_15 = arith.muli %arg1, %mul3A_14 : i32
    %add3A_16 = arith.constant 256 : i32
    %add3A_17 = arith.addi %mul3A_15, %add3A_16 : i32
    %dma_start3A_18 = arith.constant 0 : i32
    %dma_start3A_19 = tpu.memref_slice %arg12[%add3A_17, %dma_start3A_18] : memref<10240x128xf32, #tpu.memory_space<vmem_shared>> -> memref<128x128xf32, #tpu.memory_space<vmem_shared>>
    tpu.enqueue_dma source(%arg4 : memref<128x128xf32, #tpu.memory_space<hbm>>) target(%dma_start3A_19 : memref<128x128xf32, #tpu.memory_space<vmem_shared>>) target_semaphore(%arg19 : memref<!tpu.dma_semaphore, #tpu.memory_space<semaphore_mem>>)
    %mul3A_20 = arith.constant 640 : i32
    %mul3A_21 = arith.muli %arg1, %mul3A_20 : i32
    %add3A_22 = arith.constant 384 : i32
    %add3A_23 = arith.addi %mul3A_21, %add3A_22 : i32
    %dma_start3A_24 = arith.constant 0 : i32
    %dma_start3A_25 = tpu.memref_slice %arg12[%add3A_23, %dma_start3A_24] : memref<10240x128xf32, #tpu.memory_space<vmem_shared>> -> memref<128x128xf32, #tpu.memory_space<vmem_shared>>
    tpu.enqueue_dma source(%arg4 : memref<128x128xf32, #tpu.memory_space<hbm>>) target(%dma_start3A_25 : memref<128x128xf32, #tpu.memory_space<vmem_shared>>) target_semaphore(%arg19 : memref<!tpu.dma_semaphore, #tpu.memory_space<semaphore_mem>>)
    %mul3A_26 = arith.constant 640 : i32
    %mul3A_27 = arith.muli %arg1, %mul3A_26 : i32
    %add3A_28 = arith.constant 512 : i32
    %add3A_29 = arith.addi %mul3A_27, %add3A_28 : i32
    %dma_start3A_30 = arith.constant 0 : i32
    %dma_start3A_31 = tpu.memref_slice %arg12[%add3A_29, %dma_start3A_30] : memref<10240x128xf32, #tpu.memory_space<vmem_shared>> -> memref<128x128xf32, #tpu.memory_space<vmem_shared>>
    tpu.enqueue_dma source(%arg4 : memref<128x128xf32, #tpu.memory_space<hbm>>) target(%dma_start3A_31 : memref<128x128xf32, #tpu.memory_space<vmem_shared>>) target_semaphore(%arg19 : memref<!tpu.dma_semaphore, #tpu.memory_space<semaphore_mem>>)
    %dma_start3A_32 = arith.constant 0 : i32
    %dma_start3A_33 = arith.constant 0 : i32
    %dma_start3A_34 = tpu.memref_slice %arg3[%mul3A_2, %dma_start3A_32, %dma_start3A_33] : memref<2688x2x120xi32, #tpu.memory_space<hbm>> -> memref<1x2x120xi32, #tpu.memory_space<hbm>>
    %dma_start3A_35 = tpu.memref_squeeze %dma_start3A_34 : memref<1x2x120xi32, #tpu.memory_space<hbm>> -> memref<2x120xi32, #tpu.memory_space<hbm>>
    %dma_start3A_36 = arith.constant 0 : i32
    %dma_start3A_37 = arith.constant 0 : i32
    %dma_start3A_38 = tpu.memref_slice %arg3[%mul3A_2, %dma_start3A_36, %dma_start3A_37] : memref<2688x2x120xi32, #tpu.memory_space<hbm>> -> memref<1x2x120xi32, #tpu.memory_space<hbm>>
    %dma_start3A_39 = tpu.memref_squeeze %dma_start3A_38 : memref<1x2x120xi32, #tpu.memory_space<hbm>> -> memref<2x120xi32, #tpu.memory_space<hbm>>
    tpu.enqueue_dma source(%dma_start3A_39 : memref<2x120xi32, #tpu.memory_space<hbm>>) target(%arg6 : memref<2x120xi32, #tpu.memory_space<vmem>>) target_semaphore(%arg16 : memref<!tpu.dma_semaphore, #tpu.memory_space<semaphore_mem>>)
    %add3A_40 = arith.constant 1 : i32
    %add3A_41 = arith.addi %mul3A_2, %add3A_40 : i32
    %dma_start3A_42 = arith.constant 0 : i32
    %dma_start3A_43 = arith.constant 0 : i32
    %dma_start3A_44 = tpu.memref_slice %arg3[%add3A_41, %dma_start3A_42, %dma_start3A_43] : memref<2688x2x120xi32, #tpu.memory_space<hbm>> -> memref<1x2x120xi32, #tpu.memory_space<hbm>>
    %dma_start3A_45 = tpu.memref_squeeze %dma_start3A_44 : memref<1x2x120xi32, #tpu.memory_space<hbm>> -> memref<2x120xi32, #tpu.memory_space<hbm>>
    %dma_start3A_46 = arith.constant 0 : i32
    %dma_start3A_47 = arith.constant 0 : i32
    %dma_start3A_48 = tpu.memref_slice %arg3[%add3A_41, %dma_start3A_46, %dma_start3A_47] : memref<2688x2x120xi32, #tpu.memory_space<hbm>> -> memref<1x2x120xi32, #tpu.memory_space<hbm>>
    %dma_start3A_49 = tpu.memref_squeeze %dma_start3A_48 : memref<1x2x120xi32, #tpu.memory_space<hbm>> -> memref<2x120xi32, #tpu.memory_space<hbm>>
    tpu.enqueue_dma source(%dma_start3A_49 : memref<2x120xi32, #tpu.memory_space<hbm>>) target(%arg7 : memref<2x120xi32, #tpu.memory_space<vmem>>) target_semaphore(%arg17 : memref<!tpu.dma_semaphore, #tpu.memory_space<semaphore_mem>>)
    %add3A_50 = arith.constant 2 : i32
    %add3A_51 = arith.addi %mul3A_2, %add3A_50 : i32
    %dma_start3A_52 = arith.constant 0 : i32
    %dma_start3A_53 = arith.constant 0 : i32
    %dma_start3A_54 = tpu.memref_slice %arg3[%add3A_51, %dma_start3A_52, %dma_start3A_53] : memref<2688x2x120xi32, #tpu.memory_space<hbm>> -> memref<1x2x120xi32, #tpu.memory_space<hbm>>
    %dma_start3A_55 = tpu.memref_squeeze %dma_start3A_54 : memref<1x2x120xi32, #tpu.memory_space<hbm>> -> memref<2x120xi32, #tpu.memory_space<hbm>>
    %dma_start3A_56 = arith.constant 0 : i32
    %dma_start3A_57 = arith.constant 0 : i32
    %dma_start3A_58 = tpu.memref_slice %arg3[%add3A_51, %dma_start3A_56, %dma_start3A_57] : memref<2688x2x120xi32, #tpu.memory_space<hbm>> -> memref<1x2x120xi32, #tpu.memory_space<hbm>>
    %dma_start3A_59 = tpu.memref_squeeze %dma_start3A_58 : memref<1x2x120xi32, #tpu.memory_space<hbm>> -> memref<2x120xi32, #tpu.memory_space<hbm>>
    tpu.enqueue_dma source(%dma_start3A_59 : memref<2x120xi32, #tpu.memory_space<hbm>>) target(%arg8 : memref<2x120xi32, #tpu.memory_space<vmem>>) target_semaphore(%arg18 : memref<!tpu.dma_semaphore, #tpu.memory_space<semaphore_mem>>)
    %dma_wait3A = arith.constant 0 : i32
    %dma_wait3A_60 = arith.constant 0 : i32
    %dma_wait3A_61 = tpu.memref_slice %arg3[%mul3A_2, %dma_wait3A, %dma_wait3A_60] : memref<2688x2x120xi32, #tpu.memory_space<hbm>> -> memref<1x2x120xi32, #tpu.memory_space<hbm>>
    %dma_wait3A_62 = tpu.memref_squeeze %dma_wait3A_61 : memref<1x2x120xi32, #tpu.memory_space<hbm>> -> memref<2x120xi32, #tpu.memory_space<hbm>>
    %dma_wait3A_63 = arith.constant 0 : i32
    %dma_wait3A_64 = arith.constant 0 : i32
    %dma_wait3A_65 = tpu.memref_slice %arg3[%mul3A_2, %dma_wait3A_63, %dma_wait3A_64] : memref<2688x2x120xi32, #tpu.memory_space<hbm>> -> memref<1x2x120xi32, #tpu.memory_space<hbm>>
    %dma_wait3A_66 = tpu.memref_squeeze %dma_wait3A_65 : memref<1x2x120xi32, #tpu.memory_space<hbm>> -> memref<2x120xi32, #tpu.memory_space<hbm>>
    tpu.wait_dma2 semaphore(%arg16 : memref<!tpu.dma_semaphore, #tpu.memory_space<semaphore_mem>>) src(%dma_wait3A_66 : memref<2x120xi32, #tpu.memory_space<hbm>>) dst(%arg6 : memref<2x120xi32, #tpu.memory_space<vmem>>)
    %dma_start3A_67 = arith.constant 0 : i32
    %dma_start3A_68 = arith.constant 0 : i32
    %dma_start3A_69 = tpu.memref_slice %arg6[%dma_start3A_67, %dma_start3A_68] : memref<2x120xi32, #tpu.memory_space<vmem>> -> memref<1x120xi32, #tpu.memory_space<vmem>>
    %dma_start3A_70 = tpu.memref_squeeze %dma_start3A_69 : memref<1x120xi32, #tpu.memory_space<vmem>> -> memref<120xi32, #tpu.memory_space<vmem>>
    %dma_start3A_71 = arith.constant 0 : i32
    %dma_start3A_72 = arith.constant 0 : i32
    %dma_start3A_73 = tpu.memref_slice %arg2[%dma_start3A_71, %dma_start3A_72] : memref<10000x128xf32, #tpu.memory_space<hbm>> -> memref<10000x128xf32, #tpu.memory_space<hbm>>
    tpu.enqueue_indirect_dma source(%dma_start3A_73 : memref<10000x128xf32, #tpu.memory_space<hbm>>) target(%arg9 : memref<120x128xf32, #tpu.memory_space<vmem>>) offsets(%dma_start3A_70 : memref<120xi32, #tpu.memory_space<vmem>>) semaphore(%arg13 : memref<!tpu.dma_semaphore, #tpu.memory_space<semaphore_mem>>)
    %add3A_74 = arith.constant 1 : i32
    %add3A_75 = arith.addi %mul3A_2, %add3A_74 : i32
    %dma_wait3A_76 = arith.constant 0 : i32
    %dma_wait3A_77 = arith.constant 0 : i32
    %dma_wait3A_78 = tpu.memref_slice %arg3[%add3A_75, %dma_wait3A_76, %dma_wait3A_77] : memref<2688x2x120xi32, #tpu.memory_space<hbm>> -> memref<1x2x120xi32, #tpu.memory_space<hbm>>
    %dma_wait3A_79 = tpu.memref_squeeze %dma_wait3A_78 : memref<1x2x120xi32, #tpu.memory_space<hbm>> -> memref<2x120xi32, #tpu.memory_space<hbm>>
    %dma_wait3A_80 = arith.constant 0 : i32
    %dma_wait3A_81 = arith.constant 0 : i32
    %dma_wait3A_82 = tpu.memref_slice %arg3[%add3A_75, %dma_wait3A_80, %dma_wait3A_81] : memref<2688x2x120xi32, #tpu.memory_space<hbm>> -> memref<1x2x120xi32, #tpu.memory_space<hbm>>
    %dma_wait3A_83 = tpu.memref_squeeze %dma_wait3A_82 : memref<1x2x120xi32, #tpu.memory_space<hbm>> -> memref<2x120xi32, #tpu.memory_space<hbm>>
    tpu.wait_dma2 semaphore(%arg17 : memref<!tpu.dma_semaphore, #tpu.memory_space<semaphore_mem>>) src(%dma_wait3A_83 : memref<2x120xi32, #tpu.memory_space<hbm>>) dst(%arg7 : memref<2x120xi32, #tpu.memory_space<vmem>>)
    %dma_start3A_84 = arith.constant 0 : i32
    %dma_start3A_85 = arith.constant 0 : i32
    %dma_start3A_86 = tpu.memref_slice %arg7[%dma_start3A_84, %dma_start3A_85] : memref<2x120xi32, #tpu.memory_space<vmem>> -> memref<1x120xi32, #tpu.memory_space<vmem>>
    %dma_start3A_87 = tpu.memref_squeeze %dma_start3A_86 : memref<1x120xi32, #tpu.memory_space<vmem>> -> memref<120xi32, #tpu.memory_space<vmem>>
    %dma_start3A_88 = arith.constant 0 : i32
    %dma_start3A_89 = arith.constant 0 : i32
    %dma_start3A_90 = tpu.memref_slice %arg2[%dma_start3A_88, %dma_start3A_89] : memref<10000x128xf32, #tpu.memory_space<hbm>> -> memref<10000x128xf32, #tpu.memory_space<hbm>>
    tpu.enqueue_indirect_dma source(%dma_start3A_90 : memref<10000x128xf32, #tpu.memory_space<hbm>>) target(%arg10 : memref<120x128xf32, #tpu.memory_space<vmem>>) offsets(%dma_start3A_87 : memref<120xi32, #tpu.memory_space<vmem>>) semaphore(%arg14 : memref<!tpu.dma_semaphore, #tpu.memory_space<semaphore_mem>>)
    %mul3A_91 = arith.constant 640 : i32
    %mul3A_92 = arith.muli %arg1, %mul3A_91 : i32
    %add3A_93 = arith.constant 0 : i32
    %add3A_94 = arith.addi %mul3A_92, %add3A_93 : i32
    %dma_wait3A_95 = arith.constant 0 : i32
    %dma_wait3A_96 = tpu.memref_slice %arg12[%add3A_94, %dma_wait3A_95] : memref<10240x128xf32, #tpu.memory_space<vmem_shared>> -> memref<128x128xf32, #tpu.memory_space<vmem_shared>>
    tpu.wait_dma2 semaphore(%arg19 : memref<!tpu.dma_semaphore, #tpu.memory_space<semaphore_mem>>) src(%arg4 : memref<128x128xf32, #tpu.memory_space<hbm>>) dst(%dma_wait3A_96 : memref<128x128xf32, #tpu.memory_space<vmem_shared>>)
    %mul3A_97 = arith.constant 640 : i32
    %mul3A_98 = arith.muli %arg1, %mul3A_97 : i32
    %add3A_99 = arith.constant 128 : i32
    %add3A_100 = arith.addi %mul3A_98, %add3A_99 : i32
    %dma_wait3A_101 = arith.constant 0 : i32
    %dma_wait3A_102 = tpu.memref_slice %arg12[%add3A_100, %dma_wait3A_101] : memref<10240x128xf32, #tpu.memory_space<vmem_shared>> -> memref<128x128xf32, #tpu.memory_space<vmem_shared>>
    tpu.wait_dma2 semaphore(%arg19 : memref<!tpu.dma_semaphore, #tpu.memory_space<semaphore_mem>>) src(%arg4 : memref<128x128xf32, #tpu.memory_space<hbm>>) dst(%dma_wait3A_102 : memref<128x128xf32, #tpu.memory_space<vmem_shared>>)
    %mul3A_103 = arith.constant 640 : i32
    %mul3A_104 = arith.muli %arg1, %mul3A_103 : i32
    %add3A_105 = arith.constant 256 : i32
    %add3A_106 = arith.addi %mul3A_104, %add3A_105 : i32
    %dma_wait3A_107 = arith.constant 0 : i32
    %dma_wait3A_108 = tpu.memref_slice %arg12[%add3A_106, %dma_wait3A_107] : memref<10240x128xf32, #tpu.memory_space<vmem_shared>> -> memref<128x128xf32, #tpu.memory_space<vmem_shared>>
    tpu.wait_dma2 semaphore(%arg19 : memref<!tpu.dma_semaphore, #tpu.memory_space<semaphore_mem>>) src(%arg4 : memref<128x128xf32, #tpu.memory_space<hbm>>) dst(%dma_wait3A_108 : memref<128x128xf32, #tpu.memory_space<vmem_shared>>)
    %mul3A_109 = arith.constant 640 : i32
    %mul3A_110 = arith.muli %arg1, %mul3A_109 : i32
    %add3A_111 = arith.constant 384 : i32
    %add3A_112 = arith.addi %mul3A_110, %add3A_111 : i32
    %dma_wait3A_113 = arith.constant 0 : i32
    %dma_wait3A_114 = tpu.memref_slice %arg12[%add3A_112, %dma_wait3A_113] : memref<10240x128xf32, #tpu.memory_space<vmem_shared>> -> memref<128x128xf32, #tpu.memory_space<vmem_shared>>
    tpu.wait_dma2 semaphore(%arg19 : memref<!tpu.dma_semaphore, #tpu.memory_space<semaphore_mem>>) src(%arg4 : memref<128x128xf32, #tpu.memory_space<hbm>>) dst(%dma_wait3A_114 : memref<128x128xf32, #tpu.memory_space<vmem_shared>>)
    %mul3A_115 = arith.constant 640 : i32
    %mul3A_116 = arith.muli %arg1, %mul3A_115 : i32
    %add3A_117 = arith.constant 512 : i32
    %add3A_118 = arith.addi %mul3A_116, %add3A_117 : i32
    %dma_wait3A_119 = arith.constant 0 : i32
    %dma_wait3A_120 = tpu.memref_slice %arg12[%add3A_118, %dma_wait3A_119] : memref<10240x128xf32, #tpu.memory_space<vmem_shared>> -> memref<128x128xf32, #tpu.memory_space<vmem_shared>>
    tpu.wait_dma2 semaphore(%arg19 : memref<!tpu.dma_semaphore, #tpu.memory_space<semaphore_mem>>) src(%arg4 : memref<128x128xf32, #tpu.memory_space<hbm>>) dst(%dma_wait3A_120 : memref<128x128xf32, #tpu.memory_space<vmem_shared>>)
    %barrier3A = arith.constant 0 : index
    tpu.barrier barrier_id(%barrier3A)
    %scan3A = arith.constant 0 : i32
    %scan3A_121 = arith.constant 28 : i32
    %scan3A_122 = arith.addi %scan3A, %scan3A_121 : i32
    %scan3A_123 = arith.constant 1 : i32
    scf.for %scan3A_128 = %scan3A to %scan3A_122 step %scan3A_123  : i32 {
      %mul3A_129 = arith.constant 3 : i32
      %mul3A_130 = arith.muli %mul3A_129, %scan3A_128 : i32
      %dma_wait3A_131 = arith.constant 0 : i32
      %dma_wait3A_132 = arith.constant 0 : i32
      %dma_wait3A_133 = tpu.memref_slice %arg6[%dma_wait3A_131, %dma_wait3A_132] : memref<2x120xi32, #tpu.memory_space<vmem>> -> memref<1x120xi32, #tpu.memory_space<vmem>>
      %dma_wait3A_134 = tpu.memref_squeeze %dma_wait3A_133 : memref<1x120xi32, #tpu.memory_space<vmem>> -> memref<120xi32, #tpu.memory_space<vmem>>
      %dma_wait3A_135 = arith.constant 0 : i32
      %dma_wait3A_136 = arith.constant 0 : i32
      %dma_wait3A_137 = tpu.memref_slice %arg2[%dma_wait3A_135, %dma_wait3A_136] : memref<10000x128xf32, #tpu.memory_space<hbm>> -> memref<10000x128xf32, #tpu.memory_space<hbm>>
      tpu.wait_indirect_dma semaphore(%arg13 : memref<!tpu.dma_semaphore, #tpu.memory_space<semaphore_mem>>) src(%dma_wait3A_137 : memref<10000x128xf32, #tpu.memory_space<hbm>>) dst(%arg9 : memref<120x128xf32, #tpu.memory_space<vmem>>)
      %add3A_138 = arith.constant 2 : i32
      %add3A_139 = arith.addi %mul3A_130, %add3A_138 : i32
      %lt3A = arith.constant 84 : i32
      %lt3A_140 = arith.cmpi slt, %add3A_139, %lt3A : i32
      %convert_element_type3A = arith.extui %lt3A_140 : i1 to i32
      %cond3A = arith.constant 0 : i32
      %cond3A_141 = arith.cmpi ne, %convert_element_type3A, %cond3A : i32
      scf.if %cond3A_141 {
        %add3A_197 = arith.addi %mul3A_2, %mul3A_130 : i32
        %add3A_198 = arith.constant 2 : i32
        %add3A_199 = arith.addi %add3A_197, %add3A_198 : i32
        %dma_wait3A_200 = arith.constant 0 : i32
        %dma_wait3A_201 = arith.constant 0 : i32
        %dma_wait3A_202 = tpu.memref_slice %arg3[%add3A_199, %dma_wait3A_200, %dma_wait3A_201] : memref<2688x2x120xi32, #tpu.memory_space<hbm>> -> memref<1x2x120xi32, #tpu.memory_space<hbm>>
        %dma_wait3A_203 = tpu.memref_squeeze %dma_wait3A_202 : memref<1x2x120xi32, #tpu.memory_space<hbm>> -> memref<2x120xi32, #tpu.memory_space<hbm>>
        %dma_wait3A_204 = arith.constant 0 : i32
        %dma_wait3A_205 = arith.constant 0 : i32
        %dma_wait3A_206 = tpu.memref_slice %arg3[%add3A_199, %dma_wait3A_204, %dma_wait3A_205] : memref<2688x2x120xi32, #tpu.memory_space<hbm>> -> memref<1x2x120xi32, #tpu.memory_space<hbm>>
        %dma_wait3A_207 = tpu.memref_squeeze %dma_wait3A_206 : memref<1x2x120xi32, #tpu.memory_space<hbm>> -> memref<2x120xi32, #tpu.memory_space<hbm>>
        tpu.wait_dma2 semaphore(%arg18 : memref<!tpu.dma_semaphore, #tpu.memory_space<semaphore_mem>>) src(%dma_wait3A_207 : memref<2x120xi32, #tpu.memory_space<hbm>>) dst(%arg8 : memref<2x120xi32, #tpu.memory_space<vmem>>)
        %dma_start3A_208 = arith.constant 0 : i32
        %dma_start3A_209 = arith.constant 0 : i32
        %dma_start3A_210 = tpu.memref_slice %arg8[%dma_start3A_208, %dma_start3A_209] : memref<2x120xi32, #tpu.memory_space<vmem>> -> memref<1x120xi32, #tpu.memory_space<vmem>>
        %dma_start3A_211 = tpu.memref_squeeze %dma_start3A_210 : memref<1x120xi32, #tpu.memory_space<vmem>> -> memref<120xi32, #tpu.memory_space<vmem>>
        %dma_start3A_212 = arith.constant 0 : i32
        %dma_start3A_213 = arith.constant 0 : i32
        %dma_start3A_214 = tpu.memref_slice %arg2[%dma_start3A_212, %dma_start3A_213] : memref<10000x128xf32, #tpu.memory_space<hbm>> -> memref<10000x128xf32, #tpu.memory_space<hbm>>
        tpu.enqueue_indirect_dma source(%dma_start3A_214 : memref<10000x128xf32, #tpu.memory_space<hbm>>) target(%arg11 : memref<120x128xf32, #tpu.memory_space<vmem>>) offsets(%dma_start3A_211 : memref<120xi32, #tpu.memory_space<vmem>>) semaphore(%arg15 : memref<!tpu.dma_semaphore, #tpu.memory_space<semaphore_mem>>)
      } else {
      }
      %run_scoped3A = arith.constant 1 : i32
      "tpu.region"() ({
        %run_scoped3A_197 = tpu.sem_alloc : memref<!tpu.dma_semaphore, #tpu.memory_space<semaphore_mem>>
        %dma_start3A_198 = arith.constant 0 : i32
        %dma_start3A_199 = tpu.memref_slice %arg6[%run_scoped3A, %dma_start3A_198] : memref<2x120xi32, #tpu.memory_space<vmem>> -> memref<1x120xi32, #tpu.memory_space<vmem>>
        %dma_start3A_200 = tpu.memref_squeeze %dma_start3A_199 : memref<1x120xi32, #tpu.memory_space<vmem>> -> memref<120xi32, #tpu.memory_space<vmem>>
        %dma_start3A_201 = arith.constant 0 : i32
        %dma_start3A_202 = arith.constant 0 : i32
        %dma_start3A_203 = tpu.memref_slice %arg12[%dma_start3A_201, %dma_start3A_202] : memref<10240x128xf32, #tpu.memory_space<vmem_shared>> -> memref<10240x128xf32, #tpu.memory_space<vmem_shared>>
        tpu.enqueue_indirect_dma source(%arg9 : memref<120x128xf32, #tpu.memory_space<vmem>>) target(%dma_start3A_203 : memref<10240x128xf32, #tpu.memory_space<vmem_shared>>) offsets(%dma_start3A_200 : memref<120xi32, #tpu.memory_space<vmem>>) semaphore(%run_scoped3A_197 : memref<!tpu.dma_semaphore, #tpu.memory_space<semaphore_mem>>) {add = true}
        %dma_wait3A_204 = arith.constant 0 : i32
        %dma_wait3A_205 = tpu.memref_slice %arg6[%run_scoped3A, %dma_wait3A_204] : memref<2x120xi32, #tpu.memory_space<vmem>> -> memref<1x120xi32, #tpu.memory_space<vmem>>
        %dma_wait3A_206 = tpu.memref_squeeze %dma_wait3A_205 : memref<1x120xi32, #tpu.memory_space<vmem>> -> memref<120xi32, #tpu.memory_space<vmem>>
        %dma_wait3A_207 = arith.constant 0 : i32
        %dma_wait3A_208 = arith.constant 0 : i32
        %dma_wait3A_209 = tpu.memref_slice %arg12[%dma_wait3A_207, %dma_wait3A_208] : memref<10240x128xf32, #tpu.memory_space<vmem_shared>> -> memref<10240x128xf32, #tpu.memory_space<vmem_shared>>
        tpu.wait_indirect_dma semaphore(%run_scoped3A_197 : memref<!tpu.dma_semaphore, #tpu.memory_space<semaphore_mem>>) src(%arg9 : memref<120x128xf32, #tpu.memory_space<vmem>>) dst(%dma_wait3A_209 : memref<10240x128xf32, #tpu.memory_space<vmem_shared>>)
        tpu.yield
      }) : () -> ()
      %add3A_142 = arith.constant 3 : i32
      %add3A_143 = arith.addi %mul3A_130, %add3A_142 : i32
      %lt3A_144 = arith.constant 84 : i32
      %lt3A_145 = arith.cmpi slt, %add3A_143, %lt3A_144 : i32
      %convert_element_type3A_146 = arith.extui %lt3A_145 : i1 to i32
      %cond3A_147 = arith.constant 0 : i32
      %cond3A_148 = arith.cmpi ne, %convert_element_type3A_146, %cond3A_147 : i32
      scf.if %cond3A_148 {
        %add3A_197 = arith.addi %mul3A_2, %mul3A_130 : i32
        %add3A_198 = arith.constant 3 : i32
        %add3A_199 = arith.addi %add3A_197, %add3A_198 : i32
        %dma_start3A_200 = arith.constant 0 : i32
        %dma_start3A_201 = arith.constant 0 : i32
        %dma_start3A_202 = tpu.memref_slice %arg3[%add3A_199, %dma_start3A_200, %dma_start3A_201] : memref<2688x2x120xi32, #tpu.memory_space<hbm>> -> memref<1x2x120xi32, #tpu.memory_space<hbm>>
        %dma_start3A_203 = tpu.memref_squeeze %dma_start3A_202 : memref<1x2x120xi32, #tpu.memory_space<hbm>> -> memref<2x120xi32, #tpu.memory_space<hbm>>
        %dma_start3A_204 = arith.constant 0 : i32
        %dma_start3A_205 = arith.constant 0 : i32
        %dma_start3A_206 = tpu.memref_slice %arg3[%add3A_199, %dma_start3A_204, %dma_start3A_205] : memref<2688x2x120xi32, #tpu.memory_space<hbm>> -> memref<1x2x120xi32, #tpu.memory_space<hbm>>
        %dma_start3A_207 = tpu.memref_squeeze %dma_start3A_206 : memref<1x2x120xi32, #tpu.memory_space<hbm>> -> memref<2x120xi32, #tpu.memory_space<hbm>>
        tpu.enqueue_dma source(%dma_start3A_207 : memref<2x120xi32, #tpu.memory_space<hbm>>) target(%arg6 : memref<2x120xi32, #tpu.memory_space<vmem>>) target_semaphore(%arg16 : memref<!tpu.dma_semaphore, #tpu.memory_space<semaphore_mem>>)
      } else {
      }
      %add3A_149 = arith.constant 1 : i32
      %add3A_150 = arith.addi %mul3A_130, %add3A_149 : i32
      %dma_wait3A_151 = arith.constant 0 : i32
      %dma_wait3A_152 = arith.constant 0 : i32
      %dma_wait3A_153 = tpu.memref_slice %arg7[%dma_wait3A_151, %dma_wait3A_152] : memref<2x120xi32, #tpu.memory_space<vmem>> -> memref<1x120xi32, #tpu.memory_space<vmem>>
      %dma_wait3A_154 = tpu.memref_squeeze %dma_wait3A_153 : memref<1x120xi32, #tpu.memory_space<vmem>> -> memref<120xi32, #tpu.memory_space<vmem>>
      %dma_wait3A_155 = arith.constant 0 : i32
      %dma_wait3A_156 = arith.constant 0 : i32
      %dma_wait3A_157 = tpu.memref_slice %arg2[%dma_wait3A_155, %dma_wait3A_156] : memref<10000x128xf32, #tpu.memory_space<hbm>> -> memref<10000x128xf32, #tpu.memory_space<hbm>>
      tpu.wait_indirect_dma semaphore(%arg14 : memref<!tpu.dma_semaphore, #tpu.memory_space<semaphore_mem>>) src(%dma_wait3A_157 : memref<10000x128xf32, #tpu.memory_space<hbm>>) dst(%arg10 : memref<120x128xf32, #tpu.memory_space<vmem>>)
      %add3A_158 = arith.constant 2 : i32
      %add3A_159 = arith.addi %add3A_150, %add3A_158 : i32
      %lt3A_160 = arith.constant 84 : i32
      %lt3A_161 = arith.cmpi slt, %add3A_159, %lt3A_160 : i32
      %convert_element_type3A_162 = arith.extui %lt3A_161 : i1 to i32
      %cond3A_163 = arith.constant 0 : i32
      %cond3A_164 = arith.cmpi ne, %convert_element_type3A_162, %cond3A_163 : i32
      scf.if %cond3A_164 {
        %add3A_197 = arith.addi %mul3A_2, %add3A_150 : i32
        %add3A_198 = arith.constant 2 : i32
        %add3A_199 = arith.addi %add3A_197, %add3A_198 : i32
        %dma_wait3A_200 = arith.constant 0 : i32
        %dma_wait3A_201 = arith.constant 0 : i32
        %dma_wait3A_202 = tpu.memref_slice %arg3[%add3A_199, %dma_wait3A_200, %dma_wait3A_201] : memref<2688x2x120xi32, #tpu.memory_space<hbm>> -> memref<1x2x120xi32, #tpu.memory_space<hbm>>
        %dma_wait3A_203 = tpu.memref_squeeze %dma_wait3A_202 : memref<1x2x120xi32, #tpu.memory_space<hbm>> -> memref<2x120xi32, #tpu.memory_space<hbm>>
        %dma_wait3A_204 = arith.constant 0 : i32
        %dma_wait3A_205 = arith.constant 0 : i32
        %dma_wait3A_206 = tpu.memref_slice %arg3[%add3A_199, %dma_wait3A_204, %dma_wait3A_205] : memref<2688x2x120xi32, #tpu.memory_space<hbm>> -> memref<1x2x120xi32, #tpu.memory_space<hbm>>
        %dma_wait3A_207 = tpu.memref_squeeze %dma_wait3A_206 : memref<1x2x120xi32, #tpu.memory_space<hbm>> -> memref<2x120xi32, #tpu.memory_space<hbm>>
        tpu.wait_dma2 semaphore(%arg16 : memref<!tpu.dma_semaphore, #tpu.memory_space<semaphore_mem>>) src(%dma_wait3A_207 : memref<2x120xi32, #tpu.memory_space<hbm>>) dst(%arg6 : memref<2x120xi32, #tpu.memory_space<vmem>>)
        %dma_start3A_208 = arith.constant 0 : i32
        %dma_start3A_209 = arith.constant 0 : i32
        %dma_start3A_210 = tpu.memref_slice %arg6[%dma_start3A_208, %dma_start3A_209] : memref<2x120xi32, #tpu.memory_space<vmem>> -> memref<1x120xi32, #tpu.memory_space<vmem>>
        %dma_start3A_211 = tpu.memref_squeeze %dma_start3A_210 : memref<1x120xi32, #tpu.memory_space<vmem>> -> memref<120xi32, #tpu.memory_space<vmem>>
        %dma_start3A_212 = arith.constant 0 : i32
        %dma_start3A_213 = arith.constant 0 : i32
        %dma_start3A_214 = tpu.memref_slice %arg2[%dma_start3A_212, %dma_start3A_213] : memref<10000x128xf32, #tpu.memory_space<hbm>> -> memref<10000x128xf32, #tpu.memory_space<hbm>>
        tpu.enqueue_indirect_dma source(%dma_start3A_214 : memref<10000x128xf32, #tpu.memory_space<hbm>>) target(%arg9 : memref<120x128xf32, #tpu.memory_space<vmem>>) offsets(%dma_start3A_211 : memref<120xi32, #tpu.memory_space<vmem>>) semaphore(%arg13 : memref<!tpu.dma_semaphore, #tpu.memory_space<semaphore_mem>>)
      } else {
      }
      %run_scoped3A_165 = arith.constant 1 : i32
      "tpu.region"() ({
        %run_scoped3A_197 = tpu.sem_alloc : memref<!tpu.dma_semaphore, #tpu.memory_space<semaphore_mem>>
        %dma_start3A_198 = arith.constant 0 : i32
        %dma_start3A_199 = tpu.memref_slice %arg7[%run_scoped3A_165, %dma_start3A_198] : memref<2x120xi32, #tpu.memory_space<vmem>> -> memref<1x120xi32, #tpu.memory_space<vmem>>
        %dma_start3A_200 = tpu.memref_squeeze %dma_start3A_199 : memref<1x120xi32, #tpu.memory_space<vmem>> -> memref<120xi32, #tpu.memory_space<vmem>>
        %dma_start3A_201 = arith.constant 0 : i32
        %dma_start3A_202 = arith.constant 0 : i32
        %dma_start3A_203 = tpu.memref_slice %arg12[%dma_start3A_201, %dma_start3A_202] : memref<10240x128xf32, #tpu.memory_space<vmem_shared>> -> memref<10240x128xf32, #tpu.memory_space<vmem_shared>>
        tpu.enqueue_indirect_dma source(%arg10 : memref<120x128xf32, #tpu.memory_space<vmem>>) target(%dma_start3A_203 : memref<10240x128xf32, #tpu.memory_space<vmem_shared>>) offsets(%dma_start3A_200 : memref<120xi32, #tpu.memory_space<vmem>>) semaphore(%run_scoped3A_197 : memref<!tpu.dma_semaphore, #tpu.memory_space<semaphore_mem>>) {add = true}
        %dma_wait3A_204 = arith.constant 0 : i32
        %dma_wait3A_205 = tpu.memref_slice %arg7[%run_scoped3A_165, %dma_wait3A_204] : memref<2x120xi32, #tpu.memory_space<vmem>> -> memref<1x120xi32, #tpu.memory_space<vmem>>
        %dma_wait3A_206 = tpu.memref_squeeze %dma_wait3A_205 : memref<1x120xi32, #tpu.memory_space<vmem>> -> memref<120xi32, #tpu.memory_space<vmem>>
        %dma_wait3A_207 = arith.constant 0 : i32
        %dma_wait3A_208 = arith.constant 0 : i32
        %dma_wait3A_209 = tpu.memref_slice %arg12[%dma_wait3A_207, %dma_wait3A_208] : memref<10240x128xf32, #tpu.memory_space<vmem_shared>> -> memref<10240x128xf32, #tpu.memory_space<vmem_shared>>
        tpu.wait_indirect_dma semaphore(%run_scoped3A_197 : memref<!tpu.dma_semaphore, #tpu.memory_space<semaphore_mem>>) src(%arg10 : memref<120x128xf32, #tpu.memory_space<vmem>>) dst(%dma_wait3A_209 : memref<10240x128xf32, #tpu.memory_space<vmem_shared>>)
        tpu.yield
      }) : () -> ()
      %add3A_166 = arith.constant 3 : i32
      %add3A_167 = arith.addi %add3A_150, %add3A_166 : i32
      %lt3A_168 = arith.constant 84 : i32
      %lt3A_169 = arith.cmpi slt, %add3A_167, %lt3A_168 : i32
      %convert_element_type3A_170 = arith.extui %lt3A_169 : i1 to i32
      %cond3A_171 = arith.constant 0 : i32
      %cond3A_172 = arith.cmpi ne, %convert_element_type3A_170, %cond3A_171 : i32
      scf.if %cond3A_172 {
        %add3A_197 = arith.addi %mul3A_2, %add3A_150 : i32
        %add3A_198 = arith.constant 3 : i32
        %add3A_199 = arith.addi %add3A_197, %add3A_198 : i32
        %dma_start3A_200 = arith.constant 0 : i32
        %dma_start3A_201 = arith.constant 0 : i32
        %dma_start3A_202 = tpu.memref_slice %arg3[%add3A_199, %dma_start3A_200, %dma_start3A_201] : memref<2688x2x120xi32, #tpu.memory_space<hbm>> -> memref<1x2x120xi32, #tpu.memory_space<hbm>>
        %dma_start3A_203 = tpu.memref_squeeze %dma_start3A_202 : memref<1x2x120xi32, #tpu.memory_space<hbm>> -> memref<2x120xi32, #tpu.memory_space<hbm>>
        %dma_start3A_204 = arith.constant 0 : i32
        %dma_start3A_205 = arith.constant 0 : i32
        %dma_start3A_206 = tpu.memref_slice %arg3[%add3A_199, %dma_start3A_204, %dma_start3A_205] : memref<2688x2x120xi32, #tpu.memory_space<hbm>> -> memref<1x2x120xi32, #tpu.memory_space<hbm>>
        %dma_start3A_207 = tpu.memref_squeeze %dma_start3A_206 : memref<1x2x120xi32, #tpu.memory_space<hbm>> -> memref<2x120xi32, #tpu.memory_space<hbm>>
        tpu.enqueue_dma source(%dma_start3A_207 : memref<2x120xi32, #tpu.memory_space<hbm>>) target(%arg7 : memref<2x120xi32, #tpu.memory_space<vmem>>) target_semaphore(%arg17 : memref<!tpu.dma_semaphore, #tpu.memory_space<semaphore_mem>>)
      } else {
      }
      %add3A_173 = arith.constant 2 : i32
      %add3A_174 = arith.addi %mul3A_130, %add3A_173 : i32
      %dma_wait3A_175 = arith.constant 0 : i32
      %dma_wait3A_176 = arith.constant 0 : i32
      %dma_wait3A_177 = tpu.memref_slice %arg8[%dma_wait3A_175, %dma_wait3A_176] : memref<2x120xi32, #tpu.memory_space<vmem>> -> memref<1x120xi32, #tpu.memory_space<vmem>>
      %dma_wait3A_178 = tpu.memref_squeeze %dma_wait3A_177 : memref<1x120xi32, #tpu.memory_space<vmem>> -> memref<120xi32, #tpu.memory_space<vmem>>
      %dma_wait3A_179 = arith.constant 0 : i32
      %dma_wait3A_180 = arith.constant 0 : i32
      %dma_wait3A_181 = tpu.memref_slice %arg2[%dma_wait3A_179, %dma_wait3A_180] : memref<10000x128xf32, #tpu.memory_space<hbm>> -> memref<10000x128xf32, #tpu.memory_space<hbm>>
      tpu.wait_indirect_dma semaphore(%arg15 : memref<!tpu.dma_semaphore, #tpu.memory_space<semaphore_mem>>) src(%dma_wait3A_181 : memref<10000x128xf32, #tpu.memory_space<hbm>>) dst(%arg11 : memref<120x128xf32, #tpu.memory_space<vmem>>)
      %add3A_182 = arith.constant 2 : i32
      %add3A_183 = arith.addi %add3A_174, %add3A_182 : i32
      %lt3A_184 = arith.constant 84 : i32
      %lt3A_185 = arith.cmpi slt, %add3A_183, %lt3A_184 : i32
      %convert_element_type3A_186 = arith.extui %lt3A_185 : i1 to i32
      %cond3A_187 = arith.constant 0 : i32
      %cond3A_188 = arith.cmpi ne, %convert_element_type3A_186, %cond3A_187 : i32
      scf.if %cond3A_188 {
        %add3A_197 = arith.addi %mul3A_2, %add3A_174 : i32
        %add3A_198 = arith.constant 2 : i32
        %add3A_199 = arith.addi %add3A_197, %add3A_198 : i32
        %dma_wait3A_200 = arith.constant 0 : i32
        %dma_wait3A_201 = arith.constant 0 : i32
        %dma_wait3A_202 = tpu.memref_slice %arg3[%add3A_199, %dma_wait3A_200, %dma_wait3A_201] : memref<2688x2x120xi32, #tpu.memory_space<hbm>> -> memref<1x2x120xi32, #tpu.memory_space<hbm>>
        %dma_wait3A_203 = tpu.memref_squeeze %dma_wait3A_202 : memref<1x2x120xi32, #tpu.memory_space<hbm>> -> memref<2x120xi32, #tpu.memory_space<hbm>>
        %dma_wait3A_204 = arith.constant 0 : i32
        %dma_wait3A_205 = arith.constant 0 : i32
        %dma_wait3A_206 = tpu.memref_slice %arg3[%add3A_199, %dma_wait3A_204, %dma_wait3A_205] : memref<2688x2x120xi32, #tpu.memory_space<hbm>> -> memref<1x2x120xi32, #tpu.memory_space<hbm>>
        %dma_wait3A_207 = tpu.memref_squeeze %dma_wait3A_206 : memref<1x2x120xi32, #tpu.memory_space<hbm>> -> memref<2x120xi32, #tpu.memory_space<hbm>>
        tpu.wait_dma2 semaphore(%arg17 : memref<!tpu.dma_semaphore, #tpu.memory_space<semaphore_mem>>) src(%dma_wait3A_207 : memref<2x120xi32, #tpu.memory_space<hbm>>) dst(%arg7 : memref<2x120xi32, #tpu.memory_space<vmem>>)
        %dma_start3A_208 = arith.constant 0 : i32
        %dma_start3A_209 = arith.constant 0 : i32
        %dma_start3A_210 = tpu.memref_slice %arg7[%dma_start3A_208, %dma_start3A_209] : memref<2x120xi32, #tpu.memory_space<vmem>> -> memref<1x120xi32, #tpu.memory_space<vmem>>
        %dma_start3A_211 = tpu.memref_squeeze %dma_start3A_210 : memref<1x120xi32, #tpu.memory_space<vmem>> -> memref<120xi32, #tpu.memory_space<vmem>>
        %dma_start3A_212 = arith.constant 0 : i32
        %dma_start3A_213 = arith.constant 0 : i32
        %dma_start3A_214 = tpu.memref_slice %arg2[%dma_start3A_212, %dma_start3A_213] : memref<10000x128xf32, #tpu.memory_space<hbm>> -> memref<10000x128xf32, #tpu.memory_space<hbm>>
        tpu.enqueue_indirect_dma source(%dma_start3A_214 : memref<10000x128xf32, #tpu.memory_space<hbm>>) target(%arg10 : memref<120x128xf32, #tpu.memory_space<vmem>>) offsets(%dma_start3A_211 : memref<120xi32, #tpu.memory_space<vmem>>) semaphore(%arg14 : memref<!tpu.dma_semaphore, #tpu.memory_space<semaphore_mem>>)
      } else {
      }
      %run_scoped3A_189 = arith.constant 1 : i32
      "tpu.region"() ({
        %run_scoped3A_197 = tpu.sem_alloc : memref<!tpu.dma_semaphore, #tpu.memory_space<semaphore_mem>>
        %dma_start3A_198 = arith.constant 0 : i32
        %dma_start3A_199 = tpu.memref_slice %arg8[%run_scoped3A_189, %dma_start3A_198] : memref<2x120xi32, #tpu.memory_space<vmem>> -> memref<1x120xi32, #tpu.memory_space<vmem>>
        %dma_start3A_200 = tpu.memref_squeeze %dma_start3A_199 : memref<1x120xi32, #tpu.memory_space<vmem>> -> memref<120xi32, #tpu.memory_space<vmem>>
        %dma_start3A_201 = arith.constant 0 : i32
        %dma_start3A_202 = arith.constant 0 : i32
        %dma_start3A_203 = tpu.memref_slice %arg12[%dma_start3A_201, %dma_start3A_202] : memref<10240x128xf32, #tpu.memory_space<vmem_shared>> -> memref<10240x128xf32, #tpu.memory_space<vmem_shared>>
        tpu.enqueue_indirect_dma source(%arg11 : memref<120x128xf32, #tpu.memory_space<vmem>>) target(%dma_start3A_203 : memref<10240x128xf32, #tpu.memory_space<vmem_shared>>) offsets(%dma_start3A_200 : memref<120xi32, #tpu.memory_space<vmem>>) semaphore(%run_scoped3A_197 : memref<!tpu.dma_semaphore, #tpu.memory_space<semaphore_mem>>) {add = true}
        %dma_wait3A_204 = arith.constant 0 : i32
        %dma_wait3A_205 = tpu.memref_slice %arg8[%run_scoped3A_189, %dma_wait3A_204] : memref<2x120xi32, #tpu.memory_space<vmem>> -> memref<1x120xi32, #tpu.memory_space<vmem>>
        %dma_wait3A_206 = tpu.memref_squeeze %dma_wait3A_205 : memref<1x120xi32, #tpu.memory_space<vmem>> -> memref<120xi32, #tpu.memory_space<vmem>>
        %dma_wait3A_207 = arith.constant 0 : i32
        %dma_wait3A_208 = arith.constant 0 : i32
        %dma_wait3A_209 = tpu.memref_slice %arg12[%dma_wait3A_207, %dma_wait3A_208] : memref<10240x128xf32, #tpu.memory_space<vmem_shared>> -> memref<10240x128xf32, #tpu.memory_space<vmem_shared>>
        tpu.wait_indirect_dma semaphore(%run_scoped3A_197 : memref<!tpu.dma_semaphore, #tpu.memory_space<semaphore_mem>>) src(%arg11 : memref<120x128xf32, #tpu.memory_space<vmem>>) dst(%dma_wait3A_209 : memref<10240x128xf32, #tpu.memory_space<vmem_shared>>)
        tpu.yield
      }) : () -> ()
      %add3A_190 = arith.constant 3 : i32
      %add3A_191 = arith.addi %add3A_174, %add3A_190 : i32
      %lt3A_192 = arith.constant 84 : i32
      %lt3A_193 = arith.cmpi slt, %add3A_191, %lt3A_192 : i32
      %convert_element_type3A_194 = arith.extui %lt3A_193 : i1 to i32
      %cond3A_195 = arith.constant 0 : i32
      %cond3A_196 = arith.cmpi ne, %convert_element_type3A_194, %cond3A_195 : i32
      scf.if %cond3A_196 {
        %add3A_197 = arith.addi %mul3A_2, %add3A_174 : i32
        %add3A_198 = arith.constant 3 : i32
        %add3A_199 = arith.addi %add3A_197, %add3A_198 : i32
        %dma_start3A_200 = arith.constant 0 : i32
        %dma_start3A_201 = arith.constant 0 : i32
        %dma_start3A_202 = tpu.memref_slice %arg3[%add3A_199, %dma_start3A_200, %dma_start3A_201] : memref<2688x2x120xi32, #tpu.memory_space<hbm>> -> memref<1x2x120xi32, #tpu.memory_space<hbm>>
        %dma_start3A_203 = tpu.memref_squeeze %dma_start3A_202 : memref<1x2x120xi32, #tpu.memory_space<hbm>> -> memref<2x120xi32, #tpu.memory_space<hbm>>
        %dma_start3A_204 = arith.constant 0 : i32
        %dma_start3A_205 = arith.constant 0 : i32
        %dma_start3A_206 = tpu.memref_slice %arg3[%add3A_199, %dma_start3A_204, %dma_start3A_205] : memref<2688x2x120xi32, #tpu.memory_space<hbm>> -> memref<1x2x120xi32, #tpu.memory_space<hbm>>
        %dma_start3A_207 = tpu.memref_squeeze %dma_start3A_206 : memref<1x2x120xi32, #tpu.memory_space<hbm>> -> memref<2x120xi32, #tpu.memory_space<hbm>>
        tpu.enqueue_dma source(%dma_start3A_207 : memref<2x120xi32, #tpu.memory_space<hbm>>) target(%arg8 : memref<2x120xi32, #tpu.memory_space<vmem>>) target_semaphore(%arg18 : memref<!tpu.dma_semaphore, #tpu.memory_space<semaphore_mem>>)
      } else {
      }
    }
    %scan3A_124 = arith.constant 28 : i32
    %barrier3A_125 = arith.constant 0 : index
    tpu.barrier barrier_id(%barrier3A_125)
    %mul3A_126 = arith.constant 640 : i32
    %mul3A_127 = arith.muli %arg1, %mul3A_126 : i32
    "tpu.region"() ({
      %run_scoped3A = tpu.sem_alloc : memref<!tpu.dma_semaphore, #tpu.memory_space<semaphore_mem>>
      %dma_start3A_128 = arith.constant 0 : i32
      %dma_start3A_129 = tpu.memref_slice %arg5[%arg0, %mul3A_127, %dma_start3A_128] : memref<2x10240x128xf32, #tpu.memory_space<hbm>> -> memref<1x640x128xf32, #tpu.memory_space<hbm>>
      %dma_start3A_130 = tpu.memref_squeeze %dma_start3A_129 : memref<1x640x128xf32, #tpu.memory_space<hbm>> -> memref<640x128xf32, #tpu.memory_space<hbm>>
      %dma_start3A_131 = arith.constant 0 : i32
      %dma_start3A_132 = tpu.memref_slice %arg12[%mul3A_127, %dma_start3A_131] : memref<10240x128xf32, #tpu.memory_space<vmem_shared>> -> memref<640x128xf32, #tpu.memory_space<vmem_shared>>
      tpu.enqueue_dma source(%dma_start3A_132 : memref<640x128xf32, #tpu.memory_space<vmem_shared>>) target(%dma_start3A_130 : memref<640x128xf32, #tpu.memory_space<hbm>>) target_semaphore(%run_scoped3A : memref<!tpu.dma_semaphore, #tpu.memory_space<semaphore_mem>>)
      %dma_wait3A_133 = arith.constant 0 : i32
      %dma_wait3A_134 = tpu.memref_slice %arg5[%arg0, %mul3A_127, %dma_wait3A_133] : memref<2x10240x128xf32, #tpu.memory_space<hbm>> -> memref<1x640x128xf32, #tpu.memory_space<hbm>>
      %dma_wait3A_135 = tpu.memref_squeeze %dma_wait3A_134 : memref<1x640x128xf32, #tpu.memory_space<hbm>> -> memref<640x128xf32, #tpu.memory_space<hbm>>
      %dma_wait3A_136 = arith.constant 0 : i32
      %dma_wait3A_137 = tpu.memref_slice %arg12[%mul3A_127, %dma_wait3A_136] : memref<10240x128xf32, #tpu.memory_space<vmem_shared>> -> memref<640x128xf32, #tpu.memory_space<vmem_shared>>
      tpu.wait_dma2 semaphore(%run_scoped3A : memref<!tpu.dma_semaphore, #tpu.memory_space<semaphore_mem>>) src(%dma_wait3A_137 : memref<640x128xf32, #tpu.memory_space<vmem_shared>>) dst(%dma_wait3A_135 : memref<640x128xf32, #tpu.memory_space<hbm>>)
      tpu.yield
    }) : () -> ()
    return
  }
}

#map = affine_map<(d0, d1) -> (0, 0, 0)>
#map1 = affine_map<(d0, d1) -> (0)>
#map2 = affine_map<(d0, d1) -> (0, 0)>
module attributes {stable_mosaic.version = 14 : i64} {
  func.func @_deg_kernel(%arg0: i32, %arg1: i32, %arg2: memref<2688x2x120xi32, #tpu.memory_space<hbm>>, %arg3: memref<640xf32, #tpu.memory_space<hbm>>, %arg4: memref<2x10240xf32, #tpu.memory_space<hbm>>, %arg5: memref<2x120xi32, #tpu.memory_space<vmem>>, %arg6: memref<2x120xi32, #tpu.memory_space<vmem>>, %arg7: memref<2x120xi32, #tpu.memory_space<vmem>>, %arg8: memref<128xf32, #tpu.memory_space<vmem>>, %arg9: memref<10240xf32, #tpu.memory_space<vmem_shared>>, %arg10: memref<!tpu.dma_semaphore, #tpu.memory_space<semaphore_mem>>, %arg11: memref<!tpu.dma_semaphore, #tpu.memory_space<semaphore_mem>>, %arg12: memref<!tpu.dma_semaphore, #tpu.memory_space<semaphore_mem>>, %arg13: memref<!tpu.dma_semaphore, #tpu.memory_space<semaphore_mem>>) attributes {dimension_semantics = [#tpu.dimension_semantics<core_parallel>, #tpu.dimension_semantics<subcore_parallel>], iteration_bounds = array<i64: 2, 16>, scalar_prefetch = 0 : i64, scratch_operands = 9 : i64, tpu.core_type = #tpu.core_type<sc_vector_subcore>, window_params = [{transform_indices = #map}, {transform_indices = #map1}, {transform_indices = #map2}]} {
    %mul3A = arith.constant 16 : i32
    %mul3A_0 = arith.muli %arg0, %mul3A : i32
    %add3A = arith.addi %mul3A_0, %arg1 : i32
    %mul3A_1 = arith.constant 84 : i32
    %mul3A_2 = arith.muli %add3A, %mul3A_1 : i32
    %mul3A_3 = arith.constant 640 : i32
    %mul3A_4 = arith.muli %arg1, %mul3A_3 : i32
    %dma_start3A = tpu.memref_slice %arg9[%mul3A_4] : memref<10240xf32, #tpu.memory_space<vmem_shared>> -> memref<640xf32, #tpu.memory_space<vmem_shared>>
    tpu.enqueue_dma source(%arg3 : memref<640xf32, #tpu.memory_space<hbm>>) target(%dma_start3A : memref<640xf32, #tpu.memory_space<vmem_shared>>) target_semaphore(%arg13 : memref<!tpu.dma_semaphore, #tpu.memory_space<semaphore_mem>>)
    %dma_start3A_5 = arith.constant 0 : i32
    %dma_start3A_6 = arith.constant 0 : i32
    %dma_start3A_7 = tpu.memref_slice %arg2[%mul3A_2, %dma_start3A_5, %dma_start3A_6] : memref<2688x2x120xi32, #tpu.memory_space<hbm>> -> memref<1x2x120xi32, #tpu.memory_space<hbm>>
    %dma_start3A_8 = tpu.memref_squeeze %dma_start3A_7 : memref<1x2x120xi32, #tpu.memory_space<hbm>> -> memref<2x120xi32, #tpu.memory_space<hbm>>
    %dma_start3A_9 = arith.constant 0 : i32
    %dma_start3A_10 = arith.constant 0 : i32
    %dma_start3A_11 = tpu.memref_slice %arg2[%mul3A_2, %dma_start3A_9, %dma_start3A_10] : memref<2688x2x120xi32, #tpu.memory_space<hbm>> -> memref<1x2x120xi32, #tpu.memory_space<hbm>>
    %dma_start3A_12 = tpu.memref_squeeze %dma_start3A_11 : memref<1x2x120xi32, #tpu.memory_space<hbm>> -> memref<2x120xi32, #tpu.memory_space<hbm>>
    tpu.enqueue_dma source(%dma_start3A_12 : memref<2x120xi32, #tpu.memory_space<hbm>>) target(%arg5 : memref<2x120xi32, #tpu.memory_space<vmem>>) target_semaphore(%arg10 : memref<!tpu.dma_semaphore, #tpu.memory_space<semaphore_mem>>)
    %add3A_13 = arith.constant 1 : i32
    %add3A_14 = arith.addi %mul3A_2, %add3A_13 : i32
    %dma_start3A_15 = arith.constant 0 : i32
    %dma_start3A_16 = arith.constant 0 : i32
    %dma_start3A_17 = tpu.memref_slice %arg2[%add3A_14, %dma_start3A_15, %dma_start3A_16] : memref<2688x2x120xi32, #tpu.memory_space<hbm>> -> memref<1x2x120xi32, #tpu.memory_space<hbm>>
    %dma_start3A_18 = tpu.memref_squeeze %dma_start3A_17 : memref<1x2x120xi32, #tpu.memory_space<hbm>> -> memref<2x120xi32, #tpu.memory_space<hbm>>
    %dma_start3A_19 = arith.constant 0 : i32
    %dma_start3A_20 = arith.constant 0 : i32
    %dma_start3A_21 = tpu.memref_slice %arg2[%add3A_14, %dma_start3A_19, %dma_start3A_20] : memref<2688x2x120xi32, #tpu.memory_space<hbm>> -> memref<1x2x120xi32, #tpu.memory_space<hbm>>
    %dma_start3A_22 = tpu.memref_squeeze %dma_start3A_21 : memref<1x2x120xi32, #tpu.memory_space<hbm>> -> memref<2x120xi32, #tpu.memory_space<hbm>>
    tpu.enqueue_dma source(%dma_start3A_22 : memref<2x120xi32, #tpu.memory_space<hbm>>) target(%arg6 : memref<2x120xi32, #tpu.memory_space<vmem>>) target_semaphore(%arg11 : memref<!tpu.dma_semaphore, #tpu.memory_space<semaphore_mem>>)
    %add3A_23 = arith.constant 2 : i32
    %add3A_24 = arith.addi %mul3A_2, %add3A_23 : i32
    %dma_start3A_25 = arith.constant 0 : i32
    %dma_start3A_26 = arith.constant 0 : i32
    %dma_start3A_27 = tpu.memref_slice %arg2[%add3A_24, %dma_start3A_25, %dma_start3A_26] : memref<2688x2x120xi32, #tpu.memory_space<hbm>> -> memref<1x2x120xi32, #tpu.memory_space<hbm>>
    %dma_start3A_28 = tpu.memref_squeeze %dma_start3A_27 : memref<1x2x120xi32, #tpu.memory_space<hbm>> -> memref<2x120xi32, #tpu.memory_space<hbm>>
    %dma_start3A_29 = arith.constant 0 : i32
    %dma_start3A_30 = arith.constant 0 : i32
    %dma_start3A_31 = tpu.memref_slice %arg2[%add3A_24, %dma_start3A_29, %dma_start3A_30] : memref<2688x2x120xi32, #tpu.memory_space<hbm>> -> memref<1x2x120xi32, #tpu.memory_space<hbm>>
    %dma_start3A_32 = tpu.memref_squeeze %dma_start3A_31 : memref<1x2x120xi32, #tpu.memory_space<hbm>> -> memref<2x120xi32, #tpu.memory_space<hbm>>
    tpu.enqueue_dma source(%dma_start3A_32 : memref<2x120xi32, #tpu.memory_space<hbm>>) target(%arg7 : memref<2x120xi32, #tpu.memory_space<vmem>>) target_semaphore(%arg12 : memref<!tpu.dma_semaphore, #tpu.memory_space<semaphore_mem>>)
    %broadcast_in_dim3A = arith.constant 1.000000e+00 : f32
    %broadcast_in_dim3A_33 = vector.broadcast %broadcast_in_dim3A : f32 to vector<16xf32>
    %swap3A = arith.constant 0 : index
    %swap3A_34 = tpu.vector_load %arg8[%swap3A] {strides = array<i32>} : memref<128xf32, #tpu.memory_space<vmem>>, vector<16xf32>,
    %swap3A_35 = vector.shape_cast %swap3A_34 : vector<16xf32> to vector<16xf32>
    %swap3A_36 = vector.shape_cast %broadcast_in_dim3A_33 : vector<16xf32> to vector<16xf32>
    tpu.vector_store %arg8[%swap3A], %swap3A_36 {strides = array<i32>} : memref<128xf32, #tpu.memory_space<vmem>>, vector<16xf32>,
    %broadcast_in_dim3A_37 = arith.constant 1.000000e+00 : f32
    %broadcast_in_dim3A_38 = vector.broadcast %broadcast_in_dim3A_37 : f32 to vector<16xf32>
    %swap3A_39 = arith.constant 16 : index
    %swap3A_40 = tpu.vector_load %arg8[%swap3A_39] {strides = array<i32>} : memref<128xf32, #tpu.memory_space<vmem>>, vector<16xf32>,
    %swap3A_41 = vector.shape_cast %swap3A_40 : vector<16xf32> to vector<16xf32>
    %swap3A_42 = vector.shape_cast %broadcast_in_dim3A_38 : vector<16xf32> to vector<16xf32>
    tpu.vector_store %arg8[%swap3A_39], %swap3A_42 {strides = array<i32>} : memref<128xf32, #tpu.memory_space<vmem>>, vector<16xf32>,
    %broadcast_in_dim3A_43 = arith.constant 1.000000e+00 : f32
    %broadcast_in_dim3A_44 = vector.broadcast %broadcast_in_dim3A_43 : f32 to vector<16xf32>
    %swap3A_45 = arith.constant 32 : index
    %swap3A_46 = tpu.vector_load %arg8[%swap3A_45] {strides = array<i32>} : memref<128xf32, #tpu.memory_space<vmem>>, vector<16xf32>,
    %swap3A_47 = vector.shape_cast %swap3A_46 : vector<16xf32> to vector<16xf32>
    %swap3A_48 = vector.shape_cast %broadcast_in_dim3A_44 : vector<16xf32> to vector<16xf32>
    tpu.vector_store %arg8[%swap3A_45], %swap3A_48 {strides = array<i32>} : memref<128xf32, #tpu.memory_space<vmem>>, vector<16xf32>,
    %broadcast_in_dim3A_49 = arith.constant 1.000000e+00 : f32
    %broadcast_in_dim3A_50 = vector.broadcast %broadcast_in_dim3A_49 : f32 to vector<16xf32>
    %swap3A_51 = arith.constant 48 : index
    %swap3A_52 = tpu.vector_load %arg8[%swap3A_51] {strides = array<i32>} : memref<128xf32, #tpu.memory_space<vmem>>, vector<16xf32>,
    %swap3A_53 = vector.shape_cast %swap3A_52 : vector<16xf32> to vector<16xf32>
    %swap3A_54 = vector.shape_cast %broadcast_in_dim3A_50 : vector<16xf32> to vector<16xf32>
    tpu.vector_store %arg8[%swap3A_51], %swap3A_54 {strides = array<i32>} : memref<128xf32, #tpu.memory_space<vmem>>, vector<16xf32>,
    %broadcast_in_dim3A_55 = arith.constant 1.000000e+00 : f32
    %broadcast_in_dim3A_56 = vector.broadcast %broadcast_in_dim3A_55 : f32 to vector<16xf32>
    %swap3A_57 = arith.constant 64 : index
    %swap3A_58 = tpu.vector_load %arg8[%swap3A_57] {strides = array<i32>} : memref<128xf32, #tpu.memory_space<vmem>>, vector<16xf32>,
    %swap3A_59 = vector.shape_cast %swap3A_58 : vector<16xf32> to vector<16xf32>
    %swap3A_60 = vector.shape_cast %broadcast_in_dim3A_56 : vector<16xf32> to vector<16xf32>
    tpu.vector_store %arg8[%swap3A_57], %swap3A_60 {strides = array<i32>} : memref<128xf32, #tpu.memory_space<vmem>>, vector<16xf32>,
    %broadcast_in_dim3A_61 = arith.constant 1.000000e+00 : f32
    %broadcast_in_dim3A_62 = vector.broadcast %broadcast_in_dim3A_61 : f32 to vector<16xf32>
    %swap3A_63 = arith.constant 80 : index
    %swap3A_64 = tpu.vector_load %arg8[%swap3A_63] {strides = array<i32>} : memref<128xf32, #tpu.memory_space<vmem>>, vector<16xf32>,
    %swap3A_65 = vector.shape_cast %swap3A_64 : vector<16xf32> to vector<16xf32>
    %swap3A_66 = vector.shape_cast %broadcast_in_dim3A_62 : vector<16xf32> to vector<16xf32>
    tpu.vector_store %arg8[%swap3A_63], %swap3A_66 {strides = array<i32>} : memref<128xf32, #tpu.memory_space<vmem>>, vector<16xf32>,
    %broadcast_in_dim3A_67 = arith.constant 1.000000e+00 : f32
    %broadcast_in_dim3A_68 = vector.broadcast %broadcast_in_dim3A_67 : f32 to vector<16xf32>
    %swap3A_69 = arith.constant 96 : index
    %swap3A_70 = tpu.vector_load %arg8[%swap3A_69] {strides = array<i32>} : memref<128xf32, #tpu.memory_space<vmem>>, vector<16xf32>,
    %swap3A_71 = vector.shape_cast %swap3A_70 : vector<16xf32> to vector<16xf32>
    %swap3A_72 = vector.shape_cast %broadcast_in_dim3A_68 : vector<16xf32> to vector<16xf32>
    tpu.vector_store %arg8[%swap3A_69], %swap3A_72 {strides = array<i32>} : memref<128xf32, #tpu.memory_space<vmem>>, vector<16xf32>,
    %broadcast_in_dim3A_73 = arith.constant 1.000000e+00 : f32
    %broadcast_in_dim3A_74 = vector.broadcast %broadcast_in_dim3A_73 : f32 to vector<16xf32>
    %swap3A_75 = arith.constant 112 : index
    %swap3A_76 = tpu.vector_load %arg8[%swap3A_75] {strides = array<i32>} : memref<128xf32, #tpu.memory_space<vmem>>, vector<16xf32>,
    %swap3A_77 = vector.shape_cast %swap3A_76 : vector<16xf32> to vector<16xf32>
    %swap3A_78 = vector.shape_cast %broadcast_in_dim3A_74 : vector<16xf32> to vector<16xf32>
    tpu.vector_store %arg8[%swap3A_75], %swap3A_78 {strides = array<i32>} : memref<128xf32, #tpu.memory_space<vmem>>, vector<16xf32>,
    %mul3A_79 = arith.constant 640 : i32
    %mul3A_80 = arith.muli %arg1, %mul3A_79 : i32
    %dma_wait3A = tpu.memref_slice %arg9[%mul3A_80] : memref<10240xf32, #tpu.memory_space<vmem_shared>> -> memref<640xf32, #tpu.memory_space<vmem_shared>>
    tpu.wait_dma2 semaphore(%arg13 : memref<!tpu.dma_semaphore, #tpu.memory_space<semaphore_mem>>) src(%arg3 : memref<640xf32, #tpu.memory_space<hbm>>) dst(%dma_wait3A : memref<640xf32, #tpu.memory_space<vmem_shared>>)
    %barrier3A = arith.constant 0 : index
    tpu.barrier barrier_id(%barrier3A)
    %scan3A = arith.constant 0 : i32
    %scan3A_81 = arith.constant 28 : i32
    %scan3A_82 = arith.addi %scan3A, %scan3A_81 : i32
    %scan3A_83 = arith.constant 1 : i32
    scf.for %scan3A_88 = %scan3A to %scan3A_82 step %scan3A_83  : i32 {
      %mul3A_89 = arith.constant 3 : i32
      %mul3A_90 = arith.muli %mul3A_89, %scan3A_88 : i32
      %add3A_91 = arith.addi %mul3A_2, %mul3A_90 : i32
      %dma_wait3A_92 = arith.constant 0 : i32
      %dma_wait3A_93 = arith.constant 0 : i32
      %dma_wait3A_94 = tpu.memref_slice %arg2[%add3A_91, %dma_wait3A_92, %dma_wait3A_93] : memref<2688x2x120xi32, #tpu.memory_space<hbm>> -> memref<1x2x120xi32, #tpu.memory_space<hbm>>
      %dma_wait3A_95 = tpu.memref_squeeze %dma_wait3A_94 : memref<1x2x120xi32, #tpu.memory_space<hbm>> -> memref<2x120xi32, #tpu.memory_space<hbm>>
      %dma_wait3A_96 = arith.constant 0 : i32
      %dma_wait3A_97 = arith.constant 0 : i32
      %dma_wait3A_98 = tpu.memref_slice %arg2[%add3A_91, %dma_wait3A_96, %dma_wait3A_97] : memref<2688x2x120xi32, #tpu.memory_space<hbm>> -> memref<1x2x120xi32, #tpu.memory_space<hbm>>
      %dma_wait3A_99 = tpu.memref_squeeze %dma_wait3A_98 : memref<1x2x120xi32, #tpu.memory_space<hbm>> -> memref<2x120xi32, #tpu.memory_space<hbm>>
      tpu.wait_dma2 semaphore(%arg10 : memref<!tpu.dma_semaphore, #tpu.memory_space<semaphore_mem>>) src(%dma_wait3A_99 : memref<2x120xi32, #tpu.memory_space<hbm>>) dst(%arg5 : memref<2x120xi32, #tpu.memory_space<vmem>>)
      %run_scoped3A = arith.constant 1 : i32
      "tpu.region"() ({
        %run_scoped3A_146 = tpu.sem_alloc : memref<!tpu.dma_semaphore, #tpu.memory_space<semaphore_mem>>
        %dma_start3A_147 = arith.constant 0 : i32
        %dma_start3A_148 = tpu.memref_slice %arg8[%dma_start3A_147] : memref<128xf32, #tpu.memory_space<vmem>> -> memref<120xf32, #tpu.memory_space<vmem>>
        %dma_start3A_149 = arith.constant 0 : i32
        %dma_start3A_150 = tpu.memref_slice %arg5[%run_scoped3A, %dma_start3A_149] : memref<2x120xi32, #tpu.memory_space<vmem>> -> memref<1x120xi32, #tpu.memory_space<vmem>>
        %dma_start3A_151 = tpu.memref_squeeze %dma_start3A_150 : memref<1x120xi32, #tpu.memory_space<vmem>> -> memref<120xi32, #tpu.memory_space<vmem>>
        %dma_start3A_152 = arith.constant 0 : i32
        %dma_start3A_153 = tpu.memref_slice %arg9[%dma_start3A_152] : memref<10240xf32, #tpu.memory_space<vmem_shared>> -> memref<10240xf32, #tpu.memory_space<vmem_shared>>
        tpu.enqueue_indirect_dma source(%dma_start3A_148 : memref<120xf32, #tpu.memory_space<vmem>>) target(%dma_start3A_153 : memref<10240xf32, #tpu.memory_space<vmem_shared>>) offsets(%dma_start3A_151 : memref<120xi32, #tpu.memory_space<vmem>>) semaphore(%run_scoped3A_146 : memref<!tpu.dma_semaphore, #tpu.memory_space<semaphore_mem>>) {add = true}
        %dma_wait3A_154 = arith.constant 0 : i32
        %dma_wait3A_155 = tpu.memref_slice %arg8[%dma_wait3A_154] : memref<128xf32, #tpu.memory_space<vmem>> -> memref<120xf32, #tpu.memory_space<vmem>>
        %dma_wait3A_156 = arith.constant 0 : i32
        %dma_wait3A_157 = tpu.memref_slice %arg5[%run_scoped3A, %dma_wait3A_156] : memref<2x120xi32, #tpu.memory_space<vmem>> -> memref<1x120xi32, #tpu.memory_space<vmem>>
        %dma_wait3A_158 = tpu.memref_squeeze %dma_wait3A_157 : memref<1x120xi32, #tpu.memory_space<vmem>> -> memref<120xi32, #tpu.memory_space<vmem>>
        %dma_wait3A_159 = arith.constant 0 : i32
        %dma_wait3A_160 = tpu.memref_slice %arg9[%dma_wait3A_159] : memref<10240xf32, #tpu.memory_space<vmem_shared>> -> memref<10240xf32, #tpu.memory_space<vmem_shared>>
        tpu.wait_indirect_dma semaphore(%run_scoped3A_146 : memref<!tpu.dma_semaphore, #tpu.memory_space<semaphore_mem>>) src(%dma_wait3A_155 : memref<120xf32, #tpu.memory_space<vmem>>) dst(%dma_wait3A_160 : memref<10240xf32, #tpu.memory_space<vmem_shared>>)
        tpu.yield
      }) : () -> ()
      %add3A_100 = arith.constant 3 : i32
      %add3A_101 = arith.addi %mul3A_90, %add3A_100 : i32
      %lt3A = arith.constant 84 : i32
      %lt3A_102 = arith.cmpi slt, %add3A_101, %lt3A : i32
      %convert_element_type3A = arith.extui %lt3A_102 : i1 to i32
      %cond3A = arith.constant 0 : i32
      %cond3A_103 = arith.cmpi ne, %convert_element_type3A, %cond3A : i32
      scf.if %cond3A_103 {
        %add3A_146 = arith.addi %mul3A_2, %mul3A_90 : i32
        %add3A_147 = arith.constant 3 : i32
        %add3A_148 = arith.addi %add3A_146, %add3A_147 : i32
        %dma_start3A_149 = arith.constant 0 : i32
        %dma_start3A_150 = arith.constant 0 : i32
        %dma_start3A_151 = tpu.memref_slice %arg2[%add3A_148, %dma_start3A_149, %dma_start3A_150] : memref<2688x2x120xi32, #tpu.memory_space<hbm>> -> memref<1x2x120xi32, #tpu.memory_space<hbm>>
        %dma_start3A_152 = tpu.memref_squeeze %dma_start3A_151 : memref<1x2x120xi32, #tpu.memory_space<hbm>> -> memref<2x120xi32, #tpu.memory_space<hbm>>
        %dma_start3A_153 = arith.constant 0 : i32
        %dma_start3A_154 = arith.constant 0 : i32
        %dma_start3A_155 = tpu.memref_slice %arg2[%add3A_148, %dma_start3A_153, %dma_start3A_154] : memref<2688x2x120xi32, #tpu.memory_space<hbm>> -> memref<1x2x120xi32, #tpu.memory_space<hbm>>
        %dma_start3A_156 = tpu.memref_squeeze %dma_start3A_155 : memref<1x2x120xi32, #tpu.memory_space<hbm>> -> memref<2x120xi32, #tpu.memory_space<hbm>>
        tpu.enqueue_dma source(%dma_start3A_156 : memref<2x120xi32, #tpu.memory_space<hbm>>) target(%arg5 : memref<2x120xi32, #tpu.memory_space<vmem>>) target_semaphore(%arg10 : memref<!tpu.dma_semaphore, #tpu.memory_space<semaphore_mem>>)
      } else {
      }
      %mul3A_104 = arith.constant 3 : i32
      %mul3A_105 = arith.muli %mul3A_104, %scan3A_88 : i32
      %add3A_106 = arith.constant 1 : i32
      %add3A_107 = arith.addi %mul3A_105, %add3A_106 : i32
      %add3A_108 = arith.addi %mul3A_2, %add3A_107 : i32
      %dma_wait3A_109 = arith.constant 0 : i32
      %dma_wait3A_110 = arith.constant 0 : i32
      %dma_wait3A_111 = tpu.memref_slice %arg2[%add3A_108, %dma_wait3A_109, %dma_wait3A_110] : memref<2688x2x120xi32, #tpu.memory_space<hbm>> -> memref<1x2x120xi32, #tpu.memory_space<hbm>>
      %dma_wait3A_112 = tpu.memref_squeeze %dma_wait3A_111 : memref<1x2x120xi32, #tpu.memory_space<hbm>> -> memref<2x120xi32, #tpu.memory_space<hbm>>
      %dma_wait3A_113 = arith.constant 0 : i32
      %dma_wait3A_114 = arith.constant 0 : i32
      %dma_wait3A_115 = tpu.memref_slice %arg2[%add3A_108, %dma_wait3A_113, %dma_wait3A_114] : memref<2688x2x120xi32, #tpu.memory_space<hbm>> -> memref<1x2x120xi32, #tpu.memory_space<hbm>>
      %dma_wait3A_116 = tpu.memref_squeeze %dma_wait3A_115 : memref<1x2x120xi32, #tpu.memory_space<hbm>> -> memref<2x120xi32, #tpu.memory_space<hbm>>
      tpu.wait_dma2 semaphore(%arg11 : memref<!tpu.dma_semaphore, #tpu.memory_space<semaphore_mem>>) src(%dma_wait3A_116 : memref<2x120xi32, #tpu.memory_space<hbm>>) dst(%arg6 : memref<2x120xi32, #tpu.memory_space<vmem>>)
      %run_scoped3A_117 = arith.constant 1 : i32
      "tpu.region"() ({
        %run_scoped3A_146 = tpu.sem_alloc : memref<!tpu.dma_semaphore, #tpu.memory_space<semaphore_mem>>
        %dma_start3A_147 = arith.constant 0 : i32
        %dma_start3A_148 = tpu.memref_slice %arg8[%dma_start3A_147] : memref<128xf32, #tpu.memory_space<vmem>> -> memref<120xf32, #tpu.memory_space<vmem>>
        %dma_start3A_149 = arith.constant 0 : i32
        %dma_start3A_150 = tpu.memref_slice %arg6[%run_scoped3A_117, %dma_start3A_149] : memref<2x120xi32, #tpu.memory_space<vmem>> -> memref<1x120xi32, #tpu.memory_space<vmem>>
        %dma_start3A_151 = tpu.memref_squeeze %dma_start3A_150 : memref<1x120xi32, #tpu.memory_space<vmem>> -> memref<120xi32, #tpu.memory_space<vmem>>
        %dma_start3A_152 = arith.constant 0 : i32
        %dma_start3A_153 = tpu.memref_slice %arg9[%dma_start3A_152] : memref<10240xf32, #tpu.memory_space<vmem_shared>> -> memref<10240xf32, #tpu.memory_space<vmem_shared>>
        tpu.enqueue_indirect_dma source(%dma_start3A_148 : memref<120xf32, #tpu.memory_space<vmem>>) target(%dma_start3A_153 : memref<10240xf32, #tpu.memory_space<vmem_shared>>) offsets(%dma_start3A_151 : memref<120xi32, #tpu.memory_space<vmem>>) semaphore(%run_scoped3A_146 : memref<!tpu.dma_semaphore, #tpu.memory_space<semaphore_mem>>) {add = true}
        %dma_wait3A_154 = arith.constant 0 : i32
        %dma_wait3A_155 = tpu.memref_slice %arg8[%dma_wait3A_154] : memref<128xf32, #tpu.memory_space<vmem>> -> memref<120xf32, #tpu.memory_space<vmem>>
        %dma_wait3A_156 = arith.constant 0 : i32
        %dma_wait3A_157 = tpu.memref_slice %arg6[%run_scoped3A_117, %dma_wait3A_156] : memref<2x120xi32, #tpu.memory_space<vmem>> -> memref<1x120xi32, #tpu.memory_space<vmem>>
        %dma_wait3A_158 = tpu.memref_squeeze %dma_wait3A_157 : memref<1x120xi32, #tpu.memory_space<vmem>> -> memref<120xi32, #tpu.memory_space<vmem>>
        %dma_wait3A_159 = arith.constant 0 : i32
        %dma_wait3A_160 = tpu.memref_slice %arg9[%dma_wait3A_159] : memref<10240xf32, #tpu.memory_space<vmem_shared>> -> memref<10240xf32, #tpu.memory_space<vmem_shared>>
        tpu.wait_indirect_dma semaphore(%run_scoped3A_146 : memref<!tpu.dma_semaphore, #tpu.memory_space<semaphore_mem>>) src(%dma_wait3A_155 : memref<120xf32, #tpu.memory_space<vmem>>) dst(%dma_wait3A_160 : memref<10240xf32, #tpu.memory_space<vmem_shared>>)
        tpu.yield
      }) : () -> ()
      %add3A_118 = arith.constant 3 : i32
      %add3A_119 = arith.addi %add3A_107, %add3A_118 : i32
      %lt3A_120 = arith.constant 84 : i32
      %lt3A_121 = arith.cmpi slt, %add3A_119, %lt3A_120 : i32
      %convert_element_type3A_122 = arith.extui %lt3A_121 : i1 to i32
      %cond3A_123 = arith.constant 0 : i32
      %cond3A_124 = arith.cmpi ne, %convert_element_type3A_122, %cond3A_123 : i32
      scf.if %cond3A_124 {
        %add3A_146 = arith.addi %mul3A_2, %add3A_107 : i32
        %add3A_147 = arith.constant 3 : i32
        %add3A_148 = arith.addi %add3A_146, %add3A_147 : i32
        %dma_start3A_149 = arith.constant 0 : i32
        %dma_start3A_150 = arith.constant 0 : i32
        %dma_start3A_151 = tpu.memref_slice %arg2[%add3A_148, %dma_start3A_149, %dma_start3A_150] : memref<2688x2x120xi32, #tpu.memory_space<hbm>> -> memref<1x2x120xi32, #tpu.memory_space<hbm>>
        %dma_start3A_152 = tpu.memref_squeeze %dma_start3A_151 : memref<1x2x120xi32, #tpu.memory_space<hbm>> -> memref<2x120xi32, #tpu.memory_space<hbm>>
        %dma_start3A_153 = arith.constant 0 : i32
        %dma_start3A_154 = arith.constant 0 : i32
        %dma_start3A_155 = tpu.memref_slice %arg2[%add3A_148, %dma_start3A_153, %dma_start3A_154] : memref<2688x2x120xi32, #tpu.memory_space<hbm>> -> memref<1x2x120xi32, #tpu.memory_space<hbm>>
        %dma_start3A_156 = tpu.memref_squeeze %dma_start3A_155 : memref<1x2x120xi32, #tpu.memory_space<hbm>> -> memref<2x120xi32, #tpu.memory_space<hbm>>
        tpu.enqueue_dma source(%dma_start3A_156 : memref<2x120xi32, #tpu.memory_space<hbm>>) target(%arg6 : memref<2x120xi32, #tpu.memory_space<vmem>>) target_semaphore(%arg11 : memref<!tpu.dma_semaphore, #tpu.memory_space<semaphore_mem>>)
      } else {
      }
      %mul3A_125 = arith.constant 3 : i32
      %mul3A_126 = arith.muli %mul3A_125, %scan3A_88 : i32
      %add3A_127 = arith.constant 2 : i32
      %add3A_128 = arith.addi %mul3A_126, %add3A_127 : i32
      %add3A_129 = arith.addi %mul3A_2, %add3A_128 : i32
      %dma_wait3A_130 = arith.constant 0 : i32
      %dma_wait3A_131 = arith.constant 0 : i32
      %dma_wait3A_132 = tpu.memref_slice %arg2[%add3A_129, %dma_wait3A_130, %dma_wait3A_131] : memref<2688x2x120xi32, #tpu.memory_space<hbm>> -> memref<1x2x120xi32, #tpu.memory_space<hbm>>
      %dma_wait3A_133 = tpu.memref_squeeze %dma_wait3A_132 : memref<1x2x120xi32, #tpu.memory_space<hbm>> -> memref<2x120xi32, #tpu.memory_space<hbm>>
      %dma_wait3A_134 = arith.constant 0 : i32
      %dma_wait3A_135 = arith.constant 0 : i32
      %dma_wait3A_136 = tpu.memref_slice %arg2[%add3A_129, %dma_wait3A_134, %dma_wait3A_135] : memref<2688x2x120xi32, #tpu.memory_space<hbm>> -> memref<1x2x120xi32, #tpu.memory_space<hbm>>
      %dma_wait3A_137 = tpu.memref_squeeze %dma_wait3A_136 : memref<1x2x120xi32, #tpu.memory_space<hbm>> -> memref<2x120xi32, #tpu.memory_space<hbm>>
      tpu.wait_dma2 semaphore(%arg12 : memref<!tpu.dma_semaphore, #tpu.memory_space<semaphore_mem>>) src(%dma_wait3A_137 : memref<2x120xi32, #tpu.memory_space<hbm>>) dst(%arg7 : memref<2x120xi32, #tpu.memory_space<vmem>>)
      %run_scoped3A_138 = arith.constant 1 : i32
      "tpu.region"() ({
        %run_scoped3A_146 = tpu.sem_alloc : memref<!tpu.dma_semaphore, #tpu.memory_space<semaphore_mem>>
        %dma_start3A_147 = arith.constant 0 : i32
        %dma_start3A_148 = tpu.memref_slice %arg8[%dma_start3A_147] : memref<128xf32, #tpu.memory_space<vmem>> -> memref<120xf32, #tpu.memory_space<vmem>>
        %dma_start3A_149 = arith.constant 0 : i32
        %dma_start3A_150 = tpu.memref_slice %arg7[%run_scoped3A_138, %dma_start3A_149] : memref<2x120xi32, #tpu.memory_space<vmem>> -> memref<1x120xi32, #tpu.memory_space<vmem>>
        %dma_start3A_151 = tpu.memref_squeeze %dma_start3A_150 : memref<1x120xi32, #tpu.memory_space<vmem>> -> memref<120xi32, #tpu.memory_space<vmem>>
        %dma_start3A_152 = arith.constant 0 : i32
        %dma_start3A_153 = tpu.memref_slice %arg9[%dma_start3A_152] : memref<10240xf32, #tpu.memory_space<vmem_shared>> -> memref<10240xf32, #tpu.memory_space<vmem_shared>>
        tpu.enqueue_indirect_dma source(%dma_start3A_148 : memref<120xf32, #tpu.memory_space<vmem>>) target(%dma_start3A_153 : memref<10240xf32, #tpu.memory_space<vmem_shared>>) offsets(%dma_start3A_151 : memref<120xi32, #tpu.memory_space<vmem>>) semaphore(%run_scoped3A_146 : memref<!tpu.dma_semaphore, #tpu.memory_space<semaphore_mem>>) {add = true}
        %dma_wait3A_154 = arith.constant 0 : i32
        %dma_wait3A_155 = tpu.memref_slice %arg8[%dma_wait3A_154] : memref<128xf32, #tpu.memory_space<vmem>> -> memref<120xf32, #tpu.memory_space<vmem>>
        %dma_wait3A_156 = arith.constant 0 : i32
        %dma_wait3A_157 = tpu.memref_slice %arg7[%run_scoped3A_138, %dma_wait3A_156] : memref<2x120xi32, #tpu.memory_space<vmem>> -> memref<1x120xi32, #tpu.memory_space<vmem>>
        %dma_wait3A_158 = tpu.memref_squeeze %dma_wait3A_157 : memref<1x120xi32, #tpu.memory_space<vmem>> -> memref<120xi32, #tpu.memory_space<vmem>>
        %dma_wait3A_159 = arith.constant 0 : i32
        %dma_wait3A_160 = tpu.memref_slice %arg9[%dma_wait3A_159] : memref<10240xf32, #tpu.memory_space<vmem_shared>> -> memref<10240xf32, #tpu.memory_space<vmem_shared>>
        tpu.wait_indirect_dma semaphore(%run_scoped3A_146 : memref<!tpu.dma_semaphore, #tpu.memory_space<semaphore_mem>>) src(%dma_wait3A_155 : memref<120xf32, #tpu.memory_space<vmem>>) dst(%dma_wait3A_160 : memref<10240xf32, #tpu.memory_space<vmem_shared>>)
        tpu.yield
      }) : () -> ()
      %add3A_139 = arith.constant 3 : i32
      %add3A_140 = arith.addi %add3A_128, %add3A_139 : i32
      %lt3A_141 = arith.constant 84 : i32
      %lt3A_142 = arith.cmpi slt, %add3A_140, %lt3A_141 : i32
      %convert_element_type3A_143 = arith.extui %lt3A_142 : i1 to i32
      %cond3A_144 = arith.constant 0 : i32
      %cond3A_145 = arith.cmpi ne, %convert_element_type3A_143, %cond3A_144 : i32
      scf.if %cond3A_145 {
        %add3A_146 = arith.addi %mul3A_2, %add3A_128 : i32
        %add3A_147 = arith.constant 3 : i32
        %add3A_148 = arith.addi %add3A_146, %add3A_147 : i32
        %dma_start3A_149 = arith.constant 0 : i32
        %dma_start3A_150 = arith.constant 0 : i32
        %dma_start3A_151 = tpu.memref_slice %arg2[%add3A_148, %dma_start3A_149, %dma_start3A_150] : memref<2688x2x120xi32, #tpu.memory_space<hbm>> -> memref<1x2x120xi32, #tpu.memory_space<hbm>>
        %dma_start3A_152 = tpu.memref_squeeze %dma_start3A_151 : memref<1x2x120xi32, #tpu.memory_space<hbm>> -> memref<2x120xi32, #tpu.memory_space<hbm>>
        %dma_start3A_153 = arith.constant 0 : i32
        %dma_start3A_154 = arith.constant 0 : i32
        %dma_start3A_155 = tpu.memref_slice %arg2[%add3A_148, %dma_start3A_153, %dma_start3A_154] : memref<2688x2x120xi32, #tpu.memory_space<hbm>> -> memref<1x2x120xi32, #tpu.memory_space<hbm>>
        %dma_start3A_156 = tpu.memref_squeeze %dma_start3A_155 : memref<1x2x120xi32, #tpu.memory_space<hbm>> -> memref<2x120xi32, #tpu.memory_space<hbm>>
        tpu.enqueue_dma source(%dma_start3A_156 : memref<2x120xi32, #tpu.memory_space<hbm>>) target(%arg7 : memref<2x120xi32, #tpu.memory_space<vmem>>) target_semaphore(%arg12 : memref<!tpu.dma_semaphore, #tpu.memory_space<semaphore_mem>>)
      } else {
      }
    }
    %scan3A_84 = arith.constant 28 : i32
    %barrier3A_85 = arith.constant 0 : index
    tpu.barrier barrier_id(%barrier3A_85)
    %mul3A_86 = arith.constant 640 : i32
    %mul3A_87 = arith.muli %arg1, %mul3A_86 : i32
    "tpu.region"() ({
      %run_scoped3A = tpu.sem_alloc : memref<!tpu.dma_semaphore, #tpu.memory_space<semaphore_mem>>
      %dma_start3A_88 = tpu.memref_slice %arg4[%arg0, %mul3A_87] : memref<2x10240xf32, #tpu.memory_space<hbm>> -> memref<1x640xf32, #tpu.memory_space<hbm>>
      %dma_start3A_89 = tpu.memref_squeeze %dma_start3A_88 : memref<1x640xf32, #tpu.memory_space<hbm>> -> memref<640xf32, #tpu.memory_space<hbm>>
      %dma_start3A_90 = tpu.memref_slice %arg9[%mul3A_87] : memref<10240xf32, #tpu.memory_space<vmem_shared>> -> memref<640xf32, #tpu.memory_space<vmem_shared>>
      tpu.enqueue_dma source(%dma_start3A_90 : memref<640xf32, #tpu.memory_space<vmem_shared>>) target(%dma_start3A_89 : memref<640xf32, #tpu.memory_space<hbm>>) target_semaphore(%run_scoped3A : memref<!tpu.dma_semaphore, #tpu.memory_space<semaphore_mem>>)
      %dma_wait3A_91 = tpu.memref_slice %arg4[%arg0, %mul3A_87] : memref<2x10240xf32, #tpu.memory_space<hbm>> -> memref<1x640xf32, #tpu.memory_space<hbm>>
      %dma_wait3A_92 = tpu.memref_squeeze %dma_wait3A_91 : memref<1x640xf32, #tpu.memory_space<hbm>> -> memref<640xf32, #tpu.memory_space<hbm>>
      %dma_wait3A_93 = tpu.memref_slice %arg9[%mul3A_87] : memref<10240xf32, #tpu.memory_space<vmem_shared>> -> memref<640xf32, #tpu.memory_space<vmem_shared>>
      tpu.wait_dma2 semaphore(%run_scoped3A : memref<!tpu.dma_semaphore, #tpu.memory_space<semaphore_mem>>) src(%dma_wait3A_93 : memref<640xf32, #tpu.memory_space<vmem_shared>>) dst(%dma_wait3A_92 : memref<640xf32, #tpu.memory_space<hbm>>)
      tpu.yield
    }) : () -> ()
    return
  }
}

#map = affine_map<(d0, d1) -> (0, 0)>
#map1 = affine_map<(d0, d1) -> (0, 0, 0)>
module attributes {stable_mosaic.version = 14 : i64} {
  func.func @_scatter_kernel(%arg0: i32, %arg1: i32, %arg2: memref<10000x128xf32, #tpu.memory_space<hbm>>, %arg3: memref<2688x2x120xi32, #tpu.memory_space<hbm>>, %arg4: memref<128x128xf32, #tpu.memory_space<hbm>>, %arg5: memref<2x10240x128xf32, #tpu.memory_space<hbm>>, %arg6: memref<2x120xi32, #tpu.memory_space<vmem>>, %arg7: memref<2x120xi32, #tpu.memory_space<vmem>>, %arg8: memref<2x120xi32, #tpu.memory_space<vmem>>, %arg9: memref<120x128xf32, #tpu.memory_space<vmem>>, %arg10: memref<120x128xf32, #tpu.memory_space<vmem>>, %arg11: memref<120x128xf32, #tpu.memory_space<vmem>>, %arg12: memref<10240x128xf32, #tpu.memory_space<vmem_shared>>, %arg13: memref<!tpu.dma_semaphore, #tpu.memory_space<semaphore_mem>>, %arg14: memref<!tpu.dma_semaphore, #tpu.memory_space<semaphore_mem>>, %arg15: memref<!tpu.dma_semaphore, #tpu.memory_space<semaphore_mem>>, %arg16: memref<!tpu.dma_semaphore, #tpu.memory_space<semaphore_mem>>, %arg17: memref<!tpu.dma_semaphore, #tpu.memory_space<semaphore_mem>>, %arg18: memref<!tpu.dma_semaphore, #tpu.memory_space<semaphore_mem>>, %arg19: memref<!tpu.dma_semaphore, #tpu.memory_space<semaphore_mem>>) attributes {dimension_semantics = [#tpu.dimension_semantics<core_parallel>, #tpu.dimension_semantics<subcore_parallel>], iteration_bounds = array<i64: 2, 16>, scalar_prefetch = 0 : i64, scratch_operands = 14 : i64, tpu.core_type = #tpu.core_type<sc_vector_subcore>, window_params = [{transform_indices = #map}, {transform_indices = #map1}, {transform_indices = #map}, {transform_indices = #map1}]} {
    %mul3A = arith.constant 16 : i32
    %mul3A_0 = arith.muli %arg0, %mul3A : i32
    %add3A = arith.addi %mul3A_0, %arg1 : i32
    %mul3A_1 = arith.constant 84 : i32
    %mul3A_2 = arith.muli %add3A, %mul3A_1 : i32
    %mul3A_3 = arith.constant 640 : i32
    %mul3A_4 = arith.muli %arg1, %mul3A_3 : i32
    %add3A_5 = arith.constant 0 : i32
    %add3A_6 = arith.addi %mul3A_4, %add3A_5 : i32
    %dma_start3A = arith.constant 0 : i32
    %dma_start3A_7 = tpu.memref_slice %arg12[%add3A_6, %dma_start3A] : memref<10240x128xf32, #tpu.memory_space<vmem_shared>> -> memref<128x128xf32, #tpu.memory_space<vmem_shared>>
    tpu.enqueue_dma source(%arg4 : memref<128x128xf32, #tpu.memory_space<hbm>>) target(%dma_start3A_7 : memref<128x128xf32, #tpu.memory_space<vmem_shared>>) target_semaphore(%arg19 : memref<!tpu.dma_semaphore, #tpu.memory_space<semaphore_mem>>)
    %mul3A_8 = arith.constant 640 : i32
    %mul3A_9 = arith.muli %arg1, %mul3A_8 : i32
    %add3A_10 = arith.constant 128 : i32
    %add3A_11 = arith.addi %mul3A_9, %add3A_10 : i32
    %dma_start3A_12 = arith.constant 0 : i32
    %dma_start3A_13 = tpu.memref_slice %arg12[%add3A_11, %dma_start3A_12] : memref<10240x128xf32, #tpu.memory_space<vmem_shared>> -> memref<128x128xf32, #tpu.memory_space<vmem_shared>>
    tpu.enqueue_dma source(%arg4 : memref<128x128xf32, #tpu.memory_space<hbm>>) target(%dma_start3A_13 : memref<128x128xf32, #tpu.memory_space<vmem_shared>>) target_semaphore(%arg19 : memref<!tpu.dma_semaphore, #tpu.memory_space<semaphore_mem>>)
    %mul3A_14 = arith.constant 640 : i32
    %mul3A_15 = arith.muli %arg1, %mul3A_14 : i32
    %add3A_16 = arith.constant 256 : i32
    %add3A_17 = arith.addi %mul3A_15, %add3A_16 : i32
    %dma_start3A_18 = arith.constant 0 : i32
    %dma_start3A_19 = tpu.memref_slice %arg12[%add3A_17, %dma_start3A_18] : memref<10240x128xf32, #tpu.memory_space<vmem_shared>> -> memref<128x128xf32, #tpu.memory_space<vmem_shared>>
    tpu.enqueue_dma source(%arg4 : memref<128x128xf32, #tpu.memory_space<hbm>>) target(%dma_start3A_19 : memref<128x128xf32, #tpu.memory_space<vmem_shared>>) target_semaphore(%arg19 : memref<!tpu.dma_semaphore, #tpu.memory_space<semaphore_mem>>)
    %mul3A_20 = arith.constant 640 : i32
    %mul3A_21 = arith.muli %arg1, %mul3A_20 : i32
    %add3A_22 = arith.constant 384 : i32
    %add3A_23 = arith.addi %mul3A_21, %add3A_22 : i32
    %dma_start3A_24 = arith.constant 0 : i32
    %dma_start3A_25 = tpu.memref_slice %arg12[%add3A_23, %dma_start3A_24] : memref<10240x128xf32, #tpu.memory_space<vmem_shared>> -> memref<128x128xf32, #tpu.memory_space<vmem_shared>>
    tpu.enqueue_dma source(%arg4 : memref<128x128xf32, #tpu.memory_space<hbm>>) target(%dma_start3A_25 : memref<128x128xf32, #tpu.memory_space<vmem_shared>>) target_semaphore(%arg19 : memref<!tpu.dma_semaphore, #tpu.memory_space<semaphore_mem>>)
    %mul3A_26 = arith.constant 640 : i32
    %mul3A_27 = arith.muli %arg1, %mul3A_26 : i32
    %add3A_28 = arith.constant 512 : i32
    %add3A_29 = arith.addi %mul3A_27, %add3A_28 : i32
    %dma_start3A_30 = arith.constant 0 : i32
    %dma_start3A_31 = tpu.memref_slice %arg12[%add3A_29, %dma_start3A_30] : memref<10240x128xf32, #tpu.memory_space<vmem_shared>> -> memref<128x128xf32, #tpu.memory_space<vmem_shared>>
    tpu.enqueue_dma source(%arg4 : memref<128x128xf32, #tpu.memory_space<hbm>>) target(%dma_start3A_31 : memref<128x128xf32, #tpu.memory_space<vmem_shared>>) target_semaphore(%arg19 : memref<!tpu.dma_semaphore, #tpu.memory_space<semaphore_mem>>)
    %dma_start3A_32 = arith.constant 0 : i32
    %dma_start3A_33 = arith.constant 0 : i32
    %dma_start3A_34 = tpu.memref_slice %arg3[%mul3A_2, %dma_start3A_32, %dma_start3A_33] : memref<2688x2x120xi32, #tpu.memory_space<hbm>> -> memref<1x2x120xi32, #tpu.memory_space<hbm>>
    %dma_start3A_35 = tpu.memref_squeeze %dma_start3A_34 : memref<1x2x120xi32, #tpu.memory_space<hbm>> -> memref<2x120xi32, #tpu.memory_space<hbm>>
    %dma_start3A_36 = arith.constant 0 : i32
    %dma_start3A_37 = arith.constant 0 : i32
    %dma_start3A_38 = tpu.memref_slice %arg3[%mul3A_2, %dma_start3A_36, %dma_start3A_37] : memref<2688x2x120xi32, #tpu.memory_space<hbm>> -> memref<1x2x120xi32, #tpu.memory_space<hbm>>
    %dma_start3A_39 = tpu.memref_squeeze %dma_start3A_38 : memref<1x2x120xi32, #tpu.memory_space<hbm>> -> memref<2x120xi32, #tpu.memory_space<hbm>>
    tpu.enqueue_dma source(%dma_start3A_39 : memref<2x120xi32, #tpu.memory_space<hbm>>) target(%arg6 : memref<2x120xi32, #tpu.memory_space<vmem>>) target_semaphore(%arg16 : memref<!tpu.dma_semaphore, #tpu.memory_space<semaphore_mem>>)
    %add3A_40 = arith.constant 1 : i32
    %add3A_41 = arith.addi %mul3A_2, %add3A_40 : i32
    %dma_start3A_42 = arith.constant 0 : i32
    %dma_start3A_43 = arith.constant 0 : i32
    %dma_start3A_44 = tpu.memref_slice %arg3[%add3A_41, %dma_start3A_42, %dma_start3A_43] : memref<2688x2x120xi32, #tpu.memory_space<hbm>> -> memref<1x2x120xi32, #tpu.memory_space<hbm>>
    %dma_start3A_45 = tpu.memref_squeeze %dma_start3A_44 : memref<1x2x120xi32, #tpu.memory_space<hbm>> -> memref<2x120xi32, #tpu.memory_space<hbm>>
    %dma_start3A_46 = arith.constant 0 : i32
    %dma_start3A_47 = arith.constant 0 : i32
    %dma_start3A_48 = tpu.memref_slice %arg3[%add3A_41, %dma_start3A_46, %dma_start3A_47] : memref<2688x2x120xi32, #tpu.memory_space<hbm>> -> memref<1x2x120xi32, #tpu.memory_space<hbm>>
    %dma_start3A_49 = tpu.memref_squeeze %dma_start3A_48 : memref<1x2x120xi32, #tpu.memory_space<hbm>> -> memref<2x120xi32, #tpu.memory_space<hbm>>
    tpu.enqueue_dma source(%dma_start3A_49 : memref<2x120xi32, #tpu.memory_space<hbm>>) target(%arg7 : memref<2x120xi32, #tpu.memory_space<vmem>>) target_semaphore(%arg17 : memref<!tpu.dma_semaphore, #tpu.memory_space<semaphore_mem>>)
    %add3A_50 = arith.constant 2 : i32
    %add3A_51 = arith.addi %mul3A_2, %add3A_50 : i32
    %dma_start3A_52 = arith.constant 0 : i32
    %dma_start3A_53 = arith.constant 0 : i32
    %dma_start3A_54 = tpu.memref_slice %arg3[%add3A_51, %dma_start3A_52, %dma_start3A_53] : memref<2688x2x120xi32, #tpu.memory_space<hbm>> -> memref<1x2x120xi32, #tpu.memory_space<hbm>>
    %dma_start3A_55 = tpu.memref_squeeze %dma_start3A_54 : memref<1x2x120xi32, #tpu.memory_space<hbm>> -> memref<2x120xi32, #tpu.memory_space<hbm>>
    %dma_start3A_56 = arith.constant 0 : i32
    %dma_start3A_57 = arith.constant 0 : i32
    %dma_start3A_58 = tpu.memref_slice %arg3[%add3A_51, %dma_start3A_56, %dma_start3A_57] : memref<2688x2x120xi32, #tpu.memory_space<hbm>> -> memref<1x2x120xi32, #tpu.memory_space<hbm>>
    %dma_start3A_59 = tpu.memref_squeeze %dma_start3A_58 : memref<1x2x120xi32, #tpu.memory_space<hbm>> -> memref<2x120xi32, #tpu.memory_space<hbm>>
    tpu.enqueue_dma source(%dma_start3A_59 : memref<2x120xi32, #tpu.memory_space<hbm>>) target(%arg8 : memref<2x120xi32, #tpu.memory_space<vmem>>) target_semaphore(%arg18 : memref<!tpu.dma_semaphore, #tpu.memory_space<semaphore_mem>>)
    %dma_wait3A = arith.constant 0 : i32
    %dma_wait3A_60 = arith.constant 0 : i32
    %dma_wait3A_61 = tpu.memref_slice %arg3[%mul3A_2, %dma_wait3A, %dma_wait3A_60] : memref<2688x2x120xi32, #tpu.memory_space<hbm>> -> memref<1x2x120xi32, #tpu.memory_space<hbm>>
    %dma_wait3A_62 = tpu.memref_squeeze %dma_wait3A_61 : memref<1x2x120xi32, #tpu.memory_space<hbm>> -> memref<2x120xi32, #tpu.memory_space<hbm>>
    %dma_wait3A_63 = arith.constant 0 : i32
    %dma_wait3A_64 = arith.constant 0 : i32
    %dma_wait3A_65 = tpu.memref_slice %arg3[%mul3A_2, %dma_wait3A_63, %dma_wait3A_64] : memref<2688x2x120xi32, #tpu.memory_space<hbm>> -> memref<1x2x120xi32, #tpu.memory_space<hbm>>
    %dma_wait3A_66 = tpu.memref_squeeze %dma_wait3A_65 : memref<1x2x120xi32, #tpu.memory_space<hbm>> -> memref<2x120xi32, #tpu.memory_space<hbm>>
    tpu.wait_dma2 semaphore(%arg16 : memref<!tpu.dma_semaphore, #tpu.memory_space<semaphore_mem>>) src(%dma_wait3A_66 : memref<2x120xi32, #tpu.memory_space<hbm>>) dst(%arg6 : memref<2x120xi32, #tpu.memory_space<vmem>>)
    %dma_start3A_67 = arith.constant 0 : i32
    %dma_start3A_68 = arith.constant 0 : i32
    %dma_start3A_69 = tpu.memref_slice %arg6[%dma_start3A_67, %dma_start3A_68] : memref<2x120xi32, #tpu.memory_space<vmem>> -> memref<1x120xi32, #tpu.memory_space<vmem>>
    %dma_start3A_70 = tpu.memref_squeeze %dma_start3A_69 : memref<1x120xi32, #tpu.memory_space<vmem>> -> memref<120xi32, #tpu.memory_space<vmem>>
    %dma_start3A_71 = arith.constant 0 : i32
    %dma_start3A_72 = arith.constant 0 : i32
    %dma_start3A_73 = tpu.memref_slice %arg2[%dma_start3A_71, %dma_start3A_72] : memref<10000x128xf32, #tpu.memory_space<hbm>> -> memref<10000x128xf32, #tpu.memory_space<hbm>>
    tpu.enqueue_indirect_dma source(%dma_start3A_73 : memref<10000x128xf32, #tpu.memory_space<hbm>>) target(%arg9 : memref<120x128xf32, #tpu.memory_space<vmem>>) offsets(%dma_start3A_70 : memref<120xi32, #tpu.memory_space<vmem>>) semaphore(%arg13 : memref<!tpu.dma_semaphore, #tpu.memory_space<semaphore_mem>>)
    %add3A_74 = arith.constant 1 : i32
    %add3A_75 = arith.addi %mul3A_2, %add3A_74 : i32
    %dma_wait3A_76 = arith.constant 0 : i32
    %dma_wait3A_77 = arith.constant 0 : i32
    %dma_wait3A_78 = tpu.memref_slice %arg3[%add3A_75, %dma_wait3A_76, %dma_wait3A_77] : memref<2688x2x120xi32, #tpu.memory_space<hbm>> -> memref<1x2x120xi32, #tpu.memory_space<hbm>>
    %dma_wait3A_79 = tpu.memref_squeeze %dma_wait3A_78 : memref<1x2x120xi32, #tpu.memory_space<hbm>> -> memref<2x120xi32, #tpu.memory_space<hbm>>
    %dma_wait3A_80 = arith.constant 0 : i32
    %dma_wait3A_81 = arith.constant 0 : i32
    %dma_wait3A_82 = tpu.memref_slice %arg3[%add3A_75, %dma_wait3A_80, %dma_wait3A_81] : memref<2688x2x120xi32, #tpu.memory_space<hbm>> -> memref<1x2x120xi32, #tpu.memory_space<hbm>>
    %dma_wait3A_83 = tpu.memref_squeeze %dma_wait3A_82 : memref<1x2x120xi32, #tpu.memory_space<hbm>> -> memref<2x120xi32, #tpu.memory_space<hbm>>
    tpu.wait_dma2 semaphore(%arg17 : memref<!tpu.dma_semaphore, #tpu.memory_space<semaphore_mem>>) src(%dma_wait3A_83 : memref<2x120xi32, #tpu.memory_space<hbm>>) dst(%arg7 : memref<2x120xi32, #tpu.memory_space<vmem>>)
    %dma_start3A_84 = arith.constant 0 : i32
    %dma_start3A_85 = arith.constant 0 : i32
    %dma_start3A_86 = tpu.memref_slice %arg7[%dma_start3A_84, %dma_start3A_85] : memref<2x120xi32, #tpu.memory_space<vmem>> -> memref<1x120xi32, #tpu.memory_space<vmem>>
    %dma_start3A_87 = tpu.memref_squeeze %dma_start3A_86 : memref<1x120xi32, #tpu.memory_space<vmem>> -> memref<120xi32, #tpu.memory_space<vmem>>
    %dma_start3A_88 = arith.constant 0 : i32
    %dma_start3A_89 = arith.constant 0 : i32
    %dma_start3A_90 = tpu.memref_slice %arg2[%dma_start3A_88, %dma_start3A_89] : memref<10000x128xf32, #tpu.memory_space<hbm>> -> memref<10000x128xf32, #tpu.memory_space<hbm>>
    tpu.enqueue_indirect_dma source(%dma_start3A_90 : memref<10000x128xf32, #tpu.memory_space<hbm>>) target(%arg10 : memref<120x128xf32, #tpu.memory_space<vmem>>) offsets(%dma_start3A_87 : memref<120xi32, #tpu.memory_space<vmem>>) semaphore(%arg14 : memref<!tpu.dma_semaphore, #tpu.memory_space<semaphore_mem>>)
    %mul3A_91 = arith.constant 640 : i32
    %mul3A_92 = arith.muli %arg1, %mul3A_91 : i32
    %add3A_93 = arith.constant 0 : i32
    %add3A_94 = arith.addi %mul3A_92, %add3A_93 : i32
    %dma_wait3A_95 = arith.constant 0 : i32
    %dma_wait3A_96 = tpu.memref_slice %arg12[%add3A_94, %dma_wait3A_95] : memref<10240x128xf32, #tpu.memory_space<vmem_shared>> -> memref<128x128xf32, #tpu.memory_space<vmem_shared>>
    tpu.wait_dma2 semaphore(%arg19 : memref<!tpu.dma_semaphore, #tpu.memory_space<semaphore_mem>>) src(%arg4 : memref<128x128xf32, #tpu.memory_space<hbm>>) dst(%dma_wait3A_96 : memref<128x128xf32, #tpu.memory_space<vmem_shared>>)
    %mul3A_97 = arith.constant 640 : i32
    %mul3A_98 = arith.muli %arg1, %mul3A_97 : i32
    %add3A_99 = arith.constant 128 : i32
    %add3A_100 = arith.addi %mul3A_98, %add3A_99 : i32
    %dma_wait3A_101 = arith.constant 0 : i32
    %dma_wait3A_102 = tpu.memref_slice %arg12[%add3A_100, %dma_wait3A_101] : memref<10240x128xf32, #tpu.memory_space<vmem_shared>> -> memref<128x128xf32, #tpu.memory_space<vmem_shared>>
    tpu.wait_dma2 semaphore(%arg19 : memref<!tpu.dma_semaphore, #tpu.memory_space<semaphore_mem>>) src(%arg4 : memref<128x128xf32, #tpu.memory_space<hbm>>) dst(%dma_wait3A_102 : memref<128x128xf32, #tpu.memory_space<vmem_shared>>)
    %mul3A_103 = arith.constant 640 : i32
    %mul3A_104 = arith.muli %arg1, %mul3A_103 : i32
    %add3A_105 = arith.constant 256 : i32
    %add3A_106 = arith.addi %mul3A_104, %add3A_105 : i32
    %dma_wait3A_107 = arith.constant 0 : i32
    %dma_wait3A_108 = tpu.memref_slice %arg12[%add3A_106, %dma_wait3A_107] : memref<10240x128xf32, #tpu.memory_space<vmem_shared>> -> memref<128x128xf32, #tpu.memory_space<vmem_shared>>
    tpu.wait_dma2 semaphore(%arg19 : memref<!tpu.dma_semaphore, #tpu.memory_space<semaphore_mem>>) src(%arg4 : memref<128x128xf32, #tpu.memory_space<hbm>>) dst(%dma_wait3A_108 : memref<128x128xf32, #tpu.memory_space<vmem_shared>>)
    %mul3A_109 = arith.constant 640 : i32
    %mul3A_110 = arith.muli %arg1, %mul3A_109 : i32
    %add3A_111 = arith.constant 384 : i32
    %add3A_112 = arith.addi %mul3A_110, %add3A_111 : i32
    %dma_wait3A_113 = arith.constant 0 : i32
    %dma_wait3A_114 = tpu.memref_slice %arg12[%add3A_112, %dma_wait3A_113] : memref<10240x128xf32, #tpu.memory_space<vmem_shared>> -> memref<128x128xf32, #tpu.memory_space<vmem_shared>>
    tpu.wait_dma2 semaphore(%arg19 : memref<!tpu.dma_semaphore, #tpu.memory_space<semaphore_mem>>) src(%arg4 : memref<128x128xf32, #tpu.memory_space<hbm>>) dst(%dma_wait3A_114 : memref<128x128xf32, #tpu.memory_space<vmem_shared>>)
    %mul3A_115 = arith.constant 640 : i32
    %mul3A_116 = arith.muli %arg1, %mul3A_115 : i32
    %add3A_117 = arith.constant 512 : i32
    %add3A_118 = arith.addi %mul3A_116, %add3A_117 : i32
    %dma_wait3A_119 = arith.constant 0 : i32
    %dma_wait3A_120 = tpu.memref_slice %arg12[%add3A_118, %dma_wait3A_119] : memref<10240x128xf32, #tpu.memory_space<vmem_shared>> -> memref<128x128xf32, #tpu.memory_space<vmem_shared>>
    tpu.wait_dma2 semaphore(%arg19 : memref<!tpu.dma_semaphore, #tpu.memory_space<semaphore_mem>>) src(%arg4 : memref<128x128xf32, #tpu.memory_space<hbm>>) dst(%dma_wait3A_120 : memref<128x128xf32, #tpu.memory_space<vmem_shared>>)
    %barrier3A = arith.constant 0 : index
    tpu.barrier barrier_id(%barrier3A)
    %scan3A = arith.constant 0 : i32
    %scan3A_121 = arith.constant 28 : i32
    %scan3A_122 = arith.addi %scan3A, %scan3A_121 : i32
    %scan3A_123 = arith.constant 1 : i32
    scf.for %scan3A_128 = %scan3A to %scan3A_122 step %scan3A_123  : i32 {
      %mul3A_129 = arith.constant 3 : i32
      %mul3A_130 = arith.muli %mul3A_129, %scan3A_128 : i32
      %dma_wait3A_131 = arith.constant 0 : i32
      %dma_wait3A_132 = arith.constant 0 : i32
      %dma_wait3A_133 = tpu.memref_slice %arg6[%dma_wait3A_131, %dma_wait3A_132] : memref<2x120xi32, #tpu.memory_space<vmem>> -> memref<1x120xi32, #tpu.memory_space<vmem>>
      %dma_wait3A_134 = tpu.memref_squeeze %dma_wait3A_133 : memref<1x120xi32, #tpu.memory_space<vmem>> -> memref<120xi32, #tpu.memory_space<vmem>>
      %dma_wait3A_135 = arith.constant 0 : i32
      %dma_wait3A_136 = arith.constant 0 : i32
      %dma_wait3A_137 = tpu.memref_slice %arg2[%dma_wait3A_135, %dma_wait3A_136] : memref<10000x128xf32, #tpu.memory_space<hbm>> -> memref<10000x128xf32, #tpu.memory_space<hbm>>
      tpu.wait_indirect_dma semaphore(%arg13 : memref<!tpu.dma_semaphore, #tpu.memory_space<semaphore_mem>>) src(%dma_wait3A_137 : memref<10000x128xf32, #tpu.memory_space<hbm>>) dst(%arg9 : memref<120x128xf32, #tpu.memory_space<vmem>>)
      %add3A_138 = arith.constant 2 : i32
      %add3A_139 = arith.addi %mul3A_130, %add3A_138 : i32
      %lt3A = arith.constant 84 : i32
      %lt3A_140 = arith.cmpi slt, %add3A_139, %lt3A : i32
      %convert_element_type3A = arith.extui %lt3A_140 : i1 to i32
      %cond3A = arith.constant 0 : i32
      %cond3A_141 = arith.cmpi ne, %convert_element_type3A, %cond3A : i32
      scf.if %cond3A_141 {
        %add3A_197 = arith.addi %mul3A_2, %mul3A_130 : i32
        %add3A_198 = arith.constant 2 : i32
        %add3A_199 = arith.addi %add3A_197, %add3A_198 : i32
        %dma_wait3A_200 = arith.constant 0 : i32
        %dma_wait3A_201 = arith.constant 0 : i32
        %dma_wait3A_202 = tpu.memref_slice %arg3[%add3A_199, %dma_wait3A_200, %dma_wait3A_201] : memref<2688x2x120xi32, #tpu.memory_space<hbm>> -> memref<1x2x120xi32, #tpu.memory_space<hbm>>
        %dma_wait3A_203 = tpu.memref_squeeze %dma_wait3A_202 : memref<1x2x120xi32, #tpu.memory_space<hbm>> -> memref<2x120xi32, #tpu.memory_space<hbm>>
        %dma_wait3A_204 = arith.constant 0 : i32
        %dma_wait3A_205 = arith.constant 0 : i32
        %dma_wait3A_206 = tpu.memref_slice %arg3[%add3A_199, %dma_wait3A_204, %dma_wait3A_205] : memref<2688x2x120xi32, #tpu.memory_space<hbm>> -> memref<1x2x120xi32, #tpu.memory_space<hbm>>
        %dma_wait3A_207 = tpu.memref_squeeze %dma_wait3A_206 : memref<1x2x120xi32, #tpu.memory_space<hbm>> -> memref<2x120xi32, #tpu.memory_space<hbm>>
        tpu.wait_dma2 semaphore(%arg18 : memref<!tpu.dma_semaphore, #tpu.memory_space<semaphore_mem>>) src(%dma_wait3A_207 : memref<2x120xi32, #tpu.memory_space<hbm>>) dst(%arg8 : memref<2x120xi32, #tpu.memory_space<vmem>>)
        %dma_start3A_208 = arith.constant 0 : i32
        %dma_start3A_209 = arith.constant 0 : i32
        %dma_start3A_210 = tpu.memref_slice %arg8[%dma_start3A_208, %dma_start3A_209] : memref<2x120xi32, #tpu.memory_space<vmem>> -> memref<1x120xi32, #tpu.memory_space<vmem>>
        %dma_start3A_211 = tpu.memref_squeeze %dma_start3A_210 : memref<1x120xi32, #tpu.memory_space<vmem>> -> memref<120xi32, #tpu.memory_space<vmem>>
        %dma_start3A_212 = arith.constant 0 : i32
        %dma_start3A_213 = arith.constant 0 : i32
        %dma_start3A_214 = tpu.memref_slice %arg2[%dma_start3A_212, %dma_start3A_213] : memref<10000x128xf32, #tpu.memory_space<hbm>> -> memref<10000x128xf32, #tpu.memory_space<hbm>>
        tpu.enqueue_indirect_dma source(%dma_start3A_214 : memref<10000x128xf32, #tpu.memory_space<hbm>>) target(%arg11 : memref<120x128xf32, #tpu.memory_space<vmem>>) offsets(%dma_start3A_211 : memref<120xi32, #tpu.memory_space<vmem>>) semaphore(%arg15 : memref<!tpu.dma_semaphore, #tpu.memory_space<semaphore_mem>>)
      } else {
      }
      %run_scoped3A = arith.constant 1 : i32
      "tpu.region"() ({
        %run_scoped3A_197 = tpu.sem_alloc : memref<!tpu.dma_semaphore, #tpu.memory_space<semaphore_mem>>
        %dma_start3A_198 = arith.constant 0 : i32
        %dma_start3A_199 = tpu.memref_slice %arg6[%run_scoped3A, %dma_start3A_198] : memref<2x120xi32, #tpu.memory_space<vmem>> -> memref<1x120xi32, #tpu.memory_space<vmem>>
        %dma_start3A_200 = tpu.memref_squeeze %dma_start3A_199 : memref<1x120xi32, #tpu.memory_space<vmem>> -> memref<120xi32, #tpu.memory_space<vmem>>
        %dma_start3A_201 = arith.constant 0 : i32
        %dma_start3A_202 = arith.constant 0 : i32
        %dma_start3A_203 = tpu.memref_slice %arg12[%dma_start3A_201, %dma_start3A_202] : memref<10240x128xf32, #tpu.memory_space<vmem_shared>> -> memref<10240x128xf32, #tpu.memory_space<vmem_shared>>
        tpu.enqueue_indirect_dma source(%arg9 : memref<120x128xf32, #tpu.memory_space<vmem>>) target(%dma_start3A_203 : memref<10240x128xf32, #tpu.memory_space<vmem_shared>>) offsets(%dma_start3A_200 : memref<120xi32, #tpu.memory_space<vmem>>) semaphore(%run_scoped3A_197 : memref<!tpu.dma_semaphore, #tpu.memory_space<semaphore_mem>>) {add = true}
        %dma_wait3A_204 = arith.constant 0 : i32
        %dma_wait3A_205 = tpu.memref_slice %arg6[%run_scoped3A, %dma_wait3A_204] : memref<2x120xi32, #tpu.memory_space<vmem>> -> memref<1x120xi32, #tpu.memory_space<vmem>>
        %dma_wait3A_206 = tpu.memref_squeeze %dma_wait3A_205 : memref<1x120xi32, #tpu.memory_space<vmem>> -> memref<120xi32, #tpu.memory_space<vmem>>
        %dma_wait3A_207 = arith.constant 0 : i32
        %dma_wait3A_208 = arith.constant 0 : i32
        %dma_wait3A_209 = tpu.memref_slice %arg12[%dma_wait3A_207, %dma_wait3A_208] : memref<10240x128xf32, #tpu.memory_space<vmem_shared>> -> memref<10240x128xf32, #tpu.memory_space<vmem_shared>>
        tpu.wait_indirect_dma semaphore(%run_scoped3A_197 : memref<!tpu.dma_semaphore, #tpu.memory_space<semaphore_mem>>) src(%arg9 : memref<120x128xf32, #tpu.memory_space<vmem>>) dst(%dma_wait3A_209 : memref<10240x128xf32, #tpu.memory_space<vmem_shared>>)
        tpu.yield
      }) : () -> ()
      %add3A_142 = arith.constant 3 : i32
      %add3A_143 = arith.addi %mul3A_130, %add3A_142 : i32
      %lt3A_144 = arith.constant 84 : i32
      %lt3A_145 = arith.cmpi slt, %add3A_143, %lt3A_144 : i32
      %convert_element_type3A_146 = arith.extui %lt3A_145 : i1 to i32
      %cond3A_147 = arith.constant 0 : i32
      %cond3A_148 = arith.cmpi ne, %convert_element_type3A_146, %cond3A_147 : i32
      scf.if %cond3A_148 {
        %add3A_197 = arith.addi %mul3A_2, %mul3A_130 : i32
        %add3A_198 = arith.constant 3 : i32
        %add3A_199 = arith.addi %add3A_197, %add3A_198 : i32
        %dma_start3A_200 = arith.constant 0 : i32
        %dma_start3A_201 = arith.constant 0 : i32
        %dma_start3A_202 = tpu.memref_slice %arg3[%add3A_199, %dma_start3A_200, %dma_start3A_201] : memref<2688x2x120xi32, #tpu.memory_space<hbm>> -> memref<1x2x120xi32, #tpu.memory_space<hbm>>
        %dma_start3A_203 = tpu.memref_squeeze %dma_start3A_202 : memref<1x2x120xi32, #tpu.memory_space<hbm>> -> memref<2x120xi32, #tpu.memory_space<hbm>>
        %dma_start3A_204 = arith.constant 0 : i32
        %dma_start3A_205 = arith.constant 0 : i32
        %dma_start3A_206 = tpu.memref_slice %arg3[%add3A_199, %dma_start3A_204, %dma_start3A_205] : memref<2688x2x120xi32, #tpu.memory_space<hbm>> -> memref<1x2x120xi32, #tpu.memory_space<hbm>>
        %dma_start3A_207 = tpu.memref_squeeze %dma_start3A_206 : memref<1x2x120xi32, #tpu.memory_space<hbm>> -> memref<2x120xi32, #tpu.memory_space<hbm>>
        tpu.enqueue_dma source(%dma_start3A_207 : memref<2x120xi32, #tpu.memory_space<hbm>>) target(%arg6 : memref<2x120xi32, #tpu.memory_space<vmem>>) target_semaphore(%arg16 : memref<!tpu.dma_semaphore, #tpu.memory_space<semaphore_mem>>)
      } else {
      }
      %add3A_149 = arith.constant 1 : i32
      %add3A_150 = arith.addi %mul3A_130, %add3A_149 : i32
      %dma_wait3A_151 = arith.constant 0 : i32
      %dma_wait3A_152 = arith.constant 0 : i32
      %dma_wait3A_153 = tpu.memref_slice %arg7[%dma_wait3A_151, %dma_wait3A_152] : memref<2x120xi32, #tpu.memory_space<vmem>> -> memref<1x120xi32, #tpu.memory_space<vmem>>
      %dma_wait3A_154 = tpu.memref_squeeze %dma_wait3A_153 : memref<1x120xi32, #tpu.memory_space<vmem>> -> memref<120xi32, #tpu.memory_space<vmem>>
      %dma_wait3A_155 = arith.constant 0 : i32
      %dma_wait3A_156 = arith.constant 0 : i32
      %dma_wait3A_157 = tpu.memref_slice %arg2[%dma_wait3A_155, %dma_wait3A_156] : memref<10000x128xf32, #tpu.memory_space<hbm>> -> memref<10000x128xf32, #tpu.memory_space<hbm>>
      tpu.wait_indirect_dma semaphore(%arg14 : memref<!tpu.dma_semaphore, #tpu.memory_space<semaphore_mem>>) src(%dma_wait3A_157 : memref<10000x128xf32, #tpu.memory_space<hbm>>) dst(%arg10 : memref<120x128xf32, #tpu.memory_space<vmem>>)
      %add3A_158 = arith.constant 2 : i32
      %add3A_159 = arith.addi %add3A_150, %add3A_158 : i32
      %lt3A_160 = arith.constant 84 : i32
      %lt3A_161 = arith.cmpi slt, %add3A_159, %lt3A_160 : i32
      %convert_element_type3A_162 = arith.extui %lt3A_161 : i1 to i32
      %cond3A_163 = arith.constant 0 : i32
      %cond3A_164 = arith.cmpi ne, %convert_element_type3A_162, %cond3A_163 : i32
      scf.if %cond3A_164 {
        %add3A_197 = arith.addi %mul3A_2, %add3A_150 : i32
        %add3A_198 = arith.constant 2 : i32
        %add3A_199 = arith.addi %add3A_197, %add3A_198 : i32
        %dma_wait3A_200 = arith.constant 0 : i32
        %dma_wait3A_201 = arith.constant 0 : i32
        %dma_wait3A_202 = tpu.memref_slice %arg3[%add3A_199, %dma_wait3A_200, %dma_wait3A_201] : memref<2688x2x120xi32, #tpu.memory_space<hbm>> -> memref<1x2x120xi32, #tpu.memory_space<hbm>>
        %dma_wait3A_203 = tpu.memref_squeeze %dma_wait3A_202 : memref<1x2x120xi32, #tpu.memory_space<hbm>> -> memref<2x120xi32, #tpu.memory_space<hbm>>
        %dma_wait3A_204 = arith.constant 0 : i32
        %dma_wait3A_205 = arith.constant 0 : i32
        %dma_wait3A_206 = tpu.memref_slice %arg3[%add3A_199, %dma_wait3A_204, %dma_wait3A_205] : memref<2688x2x120xi32, #tpu.memory_space<hbm>> -> memref<1x2x120xi32, #tpu.memory_space<hbm>>
        %dma_wait3A_207 = tpu.memref_squeeze %dma_wait3A_206 : memref<1x2x120xi32, #tpu.memory_space<hbm>> -> memref<2x120xi32, #tpu.memory_space<hbm>>
        tpu.wait_dma2 semaphore(%arg16 : memref<!tpu.dma_semaphore, #tpu.memory_space<semaphore_mem>>) src(%dma_wait3A_207 : memref<2x120xi32, #tpu.memory_space<hbm>>) dst(%arg6 : memref<2x120xi32, #tpu.memory_space<vmem>>)
        %dma_start3A_208 = arith.constant 0 : i32
        %dma_start3A_209 = arith.constant 0 : i32
        %dma_start3A_210 = tpu.memref_slice %arg6[%dma_start3A_208, %dma_start3A_209] : memref<2x120xi32, #tpu.memory_space<vmem>> -> memref<1x120xi32, #tpu.memory_space<vmem>>
        %dma_start3A_211 = tpu.memref_squeeze %dma_start3A_210 : memref<1x120xi32, #tpu.memory_space<vmem>> -> memref<120xi32, #tpu.memory_space<vmem>>
        %dma_start3A_212 = arith.constant 0 : i32
        %dma_start3A_213 = arith.constant 0 : i32
        %dma_start3A_214 = tpu.memref_slice %arg2[%dma_start3A_212, %dma_start3A_213] : memref<10000x128xf32, #tpu.memory_space<hbm>> -> memref<10000x128xf32, #tpu.memory_space<hbm>>
        tpu.enqueue_indirect_dma source(%dma_start3A_214 : memref<10000x128xf32, #tpu.memory_space<hbm>>) target(%arg9 : memref<120x128xf32, #tpu.memory_space<vmem>>) offsets(%dma_start3A_211 : memref<120xi32, #tpu.memory_space<vmem>>) semaphore(%arg13 : memref<!tpu.dma_semaphore, #tpu.memory_space<semaphore_mem>>)
      } else {
      }
      %run_scoped3A_165 = arith.constant 1 : i32
      "tpu.region"() ({
        %run_scoped3A_197 = tpu.sem_alloc : memref<!tpu.dma_semaphore, #tpu.memory_space<semaphore_mem>>
        %dma_start3A_198 = arith.constant 0 : i32
        %dma_start3A_199 = tpu.memref_slice %arg7[%run_scoped3A_165, %dma_start3A_198] : memref<2x120xi32, #tpu.memory_space<vmem>> -> memref<1x120xi32, #tpu.memory_space<vmem>>
        %dma_start3A_200 = tpu.memref_squeeze %dma_start3A_199 : memref<1x120xi32, #tpu.memory_space<vmem>> -> memref<120xi32, #tpu.memory_space<vmem>>
        %dma_start3A_201 = arith.constant 0 : i32
        %dma_start3A_202 = arith.constant 0 : i32
        %dma_start3A_203 = tpu.memref_slice %arg12[%dma_start3A_201, %dma_start3A_202] : memref<10240x128xf32, #tpu.memory_space<vmem_shared>> -> memref<10240x128xf32, #tpu.memory_space<vmem_shared>>
        tpu.enqueue_indirect_dma source(%arg10 : memref<120x128xf32, #tpu.memory_space<vmem>>) target(%dma_start3A_203 : memref<10240x128xf32, #tpu.memory_space<vmem_shared>>) offsets(%dma_start3A_200 : memref<120xi32, #tpu.memory_space<vmem>>) semaphore(%run_scoped3A_197 : memref<!tpu.dma_semaphore, #tpu.memory_space<semaphore_mem>>) {add = true}
        %dma_wait3A_204 = arith.constant 0 : i32
        %dma_wait3A_205 = tpu.memref_slice %arg7[%run_scoped3A_165, %dma_wait3A_204] : memref<2x120xi32, #tpu.memory_space<vmem>> -> memref<1x120xi32, #tpu.memory_space<vmem>>
        %dma_wait3A_206 = tpu.memref_squeeze %dma_wait3A_205 : memref<1x120xi32, #tpu.memory_space<vmem>> -> memref<120xi32, #tpu.memory_space<vmem>>
        %dma_wait3A_207 = arith.constant 0 : i32
        %dma_wait3A_208 = arith.constant 0 : i32
        %dma_wait3A_209 = tpu.memref_slice %arg12[%dma_wait3A_207, %dma_wait3A_208] : memref<10240x128xf32, #tpu.memory_space<vmem_shared>> -> memref<10240x128xf32, #tpu.memory_space<vmem_shared>>
        tpu.wait_indirect_dma semaphore(%run_scoped3A_197 : memref<!tpu.dma_semaphore, #tpu.memory_space<semaphore_mem>>) src(%arg10 : memref<120x128xf32, #tpu.memory_space<vmem>>) dst(%dma_wait3A_209 : memref<10240x128xf32, #tpu.memory_space<vmem_shared>>)
        tpu.yield
      }) : () -> ()
      %add3A_166 = arith.constant 3 : i32
      %add3A_167 = arith.addi %add3A_150, %add3A_166 : i32
      %lt3A_168 = arith.constant 84 : i32
      %lt3A_169 = arith.cmpi slt, %add3A_167, %lt3A_168 : i32
      %convert_element_type3A_170 = arith.extui %lt3A_169 : i1 to i32
      %cond3A_171 = arith.constant 0 : i32
      %cond3A_172 = arith.cmpi ne, %convert_element_type3A_170, %cond3A_171 : i32
      scf.if %cond3A_172 {
        %add3A_197 = arith.addi %mul3A_2, %add3A_150 : i32
        %add3A_198 = arith.constant 3 : i32
        %add3A_199 = arith.addi %add3A_197, %add3A_198 : i32
        %dma_start3A_200 = arith.constant 0 : i32
        %dma_start3A_201 = arith.constant 0 : i32
        %dma_start3A_202 = tpu.memref_slice %arg3[%add3A_199, %dma_start3A_200, %dma_start3A_201] : memref<2688x2x120xi32, #tpu.memory_space<hbm>> -> memref<1x2x120xi32, #tpu.memory_space<hbm>>
        %dma_start3A_203 = tpu.memref_squeeze %dma_start3A_202 : memref<1x2x120xi32, #tpu.memory_space<hbm>> -> memref<2x120xi32, #tpu.memory_space<hbm>>
        %dma_start3A_204 = arith.constant 0 : i32
        %dma_start3A_205 = arith.constant 0 : i32
        %dma_start3A_206 = tpu.memref_slice %arg3[%add3A_199, %dma_start3A_204, %dma_start3A_205] : memref<2688x2x120xi32, #tpu.memory_space<hbm>> -> memref<1x2x120xi32, #tpu.memory_space<hbm>>
        %dma_start3A_207 = tpu.memref_squeeze %dma_start3A_206 : memref<1x2x120xi32, #tpu.memory_space<hbm>> -> memref<2x120xi32, #tpu.memory_space<hbm>>
        tpu.enqueue_dma source(%dma_start3A_207 : memref<2x120xi32, #tpu.memory_space<hbm>>) target(%arg7 : memref<2x120xi32, #tpu.memory_space<vmem>>) target_semaphore(%arg17 : memref<!tpu.dma_semaphore, #tpu.memory_space<semaphore_mem>>)
      } else {
      }
      %add3A_173 = arith.constant 2 : i32
      %add3A_174 = arith.addi %mul3A_130, %add3A_173 : i32
      %dma_wait3A_175 = arith.constant 0 : i32
      %dma_wait3A_176 = arith.constant 0 : i32
      %dma_wait3A_177 = tpu.memref_slice %arg8[%dma_wait3A_175, %dma_wait3A_176] : memref<2x120xi32, #tpu.memory_space<vmem>> -> memref<1x120xi32, #tpu.memory_space<vmem>>
      %dma_wait3A_178 = tpu.memref_squeeze %dma_wait3A_177 : memref<1x120xi32, #tpu.memory_space<vmem>> -> memref<120xi32, #tpu.memory_space<vmem>>
      %dma_wait3A_179 = arith.constant 0 : i32
      %dma_wait3A_180 = arith.constant 0 : i32
      %dma_wait3A_181 = tpu.memref_slice %arg2[%dma_wait3A_179, %dma_wait3A_180] : memref<10000x128xf32, #tpu.memory_space<hbm>> -> memref<10000x128xf32, #tpu.memory_space<hbm>>
      tpu.wait_indirect_dma semaphore(%arg15 : memref<!tpu.dma_semaphore, #tpu.memory_space<semaphore_mem>>) src(%dma_wait3A_181 : memref<10000x128xf32, #tpu.memory_space<hbm>>) dst(%arg11 : memref<120x128xf32, #tpu.memory_space<vmem>>)
      %add3A_182 = arith.constant 2 : i32
      %add3A_183 = arith.addi %add3A_174, %add3A_182 : i32
      %lt3A_184 = arith.constant 84 : i32
      %lt3A_185 = arith.cmpi slt, %add3A_183, %lt3A_184 : i32
      %convert_element_type3A_186 = arith.extui %lt3A_185 : i1 to i32
      %cond3A_187 = arith.constant 0 : i32
      %cond3A_188 = arith.cmpi ne, %convert_element_type3A_186, %cond3A_187 : i32
      scf.if %cond3A_188 {
        %add3A_197 = arith.addi %mul3A_2, %add3A_174 : i32
        %add3A_198 = arith.constant 2 : i32
        %add3A_199 = arith.addi %add3A_197, %add3A_198 : i32
        %dma_wait3A_200 = arith.constant 0 : i32
        %dma_wait3A_201 = arith.constant 0 : i32
        %dma_wait3A_202 = tpu.memref_slice %arg3[%add3A_199, %dma_wait3A_200, %dma_wait3A_201] : memref<2688x2x120xi32, #tpu.memory_space<hbm>> -> memref<1x2x120xi32, #tpu.memory_space<hbm>>
        %dma_wait3A_203 = tpu.memref_squeeze %dma_wait3A_202 : memref<1x2x120xi32, #tpu.memory_space<hbm>> -> memref<2x120xi32, #tpu.memory_space<hbm>>
        %dma_wait3A_204 = arith.constant 0 : i32
        %dma_wait3A_205 = arith.constant 0 : i32
        %dma_wait3A_206 = tpu.memref_slice %arg3[%add3A_199, %dma_wait3A_204, %dma_wait3A_205] : memref<2688x2x120xi32, #tpu.memory_space<hbm>> -> memref<1x2x120xi32, #tpu.memory_space<hbm>>
        %dma_wait3A_207 = tpu.memref_squeeze %dma_wait3A_206 : memref<1x2x120xi32, #tpu.memory_space<hbm>> -> memref<2x120xi32, #tpu.memory_space<hbm>>
        tpu.wait_dma2 semaphore(%arg17 : memref<!tpu.dma_semaphore, #tpu.memory_space<semaphore_mem>>) src(%dma_wait3A_207 : memref<2x120xi32, #tpu.memory_space<hbm>>) dst(%arg7 : memref<2x120xi32, #tpu.memory_space<vmem>>)
        %dma_start3A_208 = arith.constant 0 : i32
        %dma_start3A_209 = arith.constant 0 : i32
        %dma_start3A_210 = tpu.memref_slice %arg7[%dma_start3A_208, %dma_start3A_209] : memref<2x120xi32, #tpu.memory_space<vmem>> -> memref<1x120xi32, #tpu.memory_space<vmem>>
        %dma_start3A_211 = tpu.memref_squeeze %dma_start3A_210 : memref<1x120xi32, #tpu.memory_space<vmem>> -> memref<120xi32, #tpu.memory_space<vmem>>
        %dma_start3A_212 = arith.constant 0 : i32
        %dma_start3A_213 = arith.constant 0 : i32
        %dma_start3A_214 = tpu.memref_slice %arg2[%dma_start3A_212, %dma_start3A_213] : memref<10000x128xf32, #tpu.memory_space<hbm>> -> memref<10000x128xf32, #tpu.memory_space<hbm>>
        tpu.enqueue_indirect_dma source(%dma_start3A_214 : memref<10000x128xf32, #tpu.memory_space<hbm>>) target(%arg10 : memref<120x128xf32, #tpu.memory_space<vmem>>) offsets(%dma_start3A_211 : memref<120xi32, #tpu.memory_space<vmem>>) semaphore(%arg14 : memref<!tpu.dma_semaphore, #tpu.memory_space<semaphore_mem>>)
      } else {
      }
      %run_scoped3A_189 = arith.constant 1 : i32
      "tpu.region"() ({
        %run_scoped3A_197 = tpu.sem_alloc : memref<!tpu.dma_semaphore, #tpu.memory_space<semaphore_mem>>
        %dma_start3A_198 = arith.constant 0 : i32
        %dma_start3A_199 = tpu.memref_slice %arg8[%run_scoped3A_189, %dma_start3A_198] : memref<2x120xi32, #tpu.memory_space<vmem>> -> memref<1x120xi32, #tpu.memory_space<vmem>>
        %dma_start3A_200 = tpu.memref_squeeze %dma_start3A_199 : memref<1x120xi32, #tpu.memory_space<vmem>> -> memref<120xi32, #tpu.memory_space<vmem>>
        %dma_start3A_201 = arith.constant 0 : i32
        %dma_start3A_202 = arith.constant 0 : i32
        %dma_start3A_203 = tpu.memref_slice %arg12[%dma_start3A_201, %dma_start3A_202] : memref<10240x128xf32, #tpu.memory_space<vmem_shared>> -> memref<10240x128xf32, #tpu.memory_space<vmem_shared>>
        tpu.enqueue_indirect_dma source(%arg11 : memref<120x128xf32, #tpu.memory_space<vmem>>) target(%dma_start3A_203 : memref<10240x128xf32, #tpu.memory_space<vmem_shared>>) offsets(%dma_start3A_200 : memref<120xi32, #tpu.memory_space<vmem>>) semaphore(%run_scoped3A_197 : memref<!tpu.dma_semaphore, #tpu.memory_space<semaphore_mem>>) {add = true}
        %dma_wait3A_204 = arith.constant 0 : i32
        %dma_wait3A_205 = tpu.memref_slice %arg8[%run_scoped3A_189, %dma_wait3A_204] : memref<2x120xi32, #tpu.memory_space<vmem>> -> memref<1x120xi32, #tpu.memory_space<vmem>>
        %dma_wait3A_206 = tpu.memref_squeeze %dma_wait3A_205 : memref<1x120xi32, #tpu.memory_space<vmem>> -> memref<120xi32, #tpu.memory_space<vmem>>
        %dma_wait3A_207 = arith.constant 0 : i32
        %dma_wait3A_208 = arith.constant 0 : i32
        %dma_wait3A_209 = tpu.memref_slice %arg12[%dma_wait3A_207, %dma_wait3A_208] : memref<10240x128xf32, #tpu.memory_space<vmem_shared>> -> memref<10240x128xf32, #tpu.memory_space<vmem_shared>>
        tpu.wait_indirect_dma semaphore(%run_scoped3A_197 : memref<!tpu.dma_semaphore, #tpu.memory_space<semaphore_mem>>) src(%arg11 : memref<120x128xf32, #tpu.memory_space<vmem>>) dst(%dma_wait3A_209 : memref<10240x128xf32, #tpu.memory_space<vmem_shared>>)
        tpu.yield
      }) : () -> ()
      %add3A_190 = arith.constant 3 : i32
      %add3A_191 = arith.addi %add3A_174, %add3A_190 : i32
      %lt3A_192 = arith.constant 84 : i32
      %lt3A_193 = arith.cmpi slt, %add3A_191, %lt3A_192 : i32
      %convert_element_type3A_194 = arith.extui %lt3A_193 : i1 to i32
      %cond3A_195 = arith.constant 0 : i32
      %cond3A_196 = arith.cmpi ne, %convert_element_type3A_194, %cond3A_195 : i32
      scf.if %cond3A_196 {
        %add3A_197 = arith.addi %mul3A_2, %add3A_174 : i32
        %add3A_198 = arith.constant 3 : i32
        %add3A_199 = arith.addi %add3A_197, %add3A_198 : i32
        %dma_start3A_200 = arith.constant 0 : i32
        %dma_start3A_201 = arith.constant 0 : i32
        %dma_start3A_202 = tpu.memref_slice %arg3[%add3A_199, %dma_start3A_200, %dma_start3A_201] : memref<2688x2x120xi32, #tpu.memory_space<hbm>> -> memref<1x2x120xi32, #tpu.memory_space<hbm>>
        %dma_start3A_203 = tpu.memref_squeeze %dma_start3A_202 : memref<1x2x120xi32, #tpu.memory_space<hbm>> -> memref<2x120xi32, #tpu.memory_space<hbm>>
        %dma_start3A_204 = arith.constant 0 : i32
        %dma_start3A_205 = arith.constant 0 : i32
        %dma_start3A_206 = tpu.memref_slice %arg3[%add3A_199, %dma_start3A_204, %dma_start3A_205] : memref<2688x2x120xi32, #tpu.memory_space<hbm>> -> memref<1x2x120xi32, #tpu.memory_space<hbm>>
        %dma_start3A_207 = tpu.memref_squeeze %dma_start3A_206 : memref<1x2x120xi32, #tpu.memory_space<hbm>> -> memref<2x120xi32, #tpu.memory_space<hbm>>
        tpu.enqueue_dma source(%dma_start3A_207 : memref<2x120xi32, #tpu.memory_space<hbm>>) target(%arg8 : memref<2x120xi32, #tpu.memory_space<vmem>>) target_semaphore(%arg18 : memref<!tpu.dma_semaphore, #tpu.memory_space<semaphore_mem>>)
      } else {
      }
    }
    %scan3A_124 = arith.constant 28 : i32
    %barrier3A_125 = arith.constant 0 : index
    tpu.barrier barrier_id(%barrier3A_125)
    %mul3A_126 = arith.constant 640 : i32
    %mul3A_127 = arith.muli %arg1, %mul3A_126 : i32
    "tpu.region"() ({
      %run_scoped3A = tpu.sem_alloc : memref<!tpu.dma_semaphore, #tpu.memory_space<semaphore_mem>>
      %dma_start3A_128 = arith.constant 0 : i32
      %dma_start3A_129 = tpu.memref_slice %arg5[%arg0, %mul3A_127, %dma_start3A_128] : memref<2x10240x128xf32, #tpu.memory_space<hbm>> -> memref<1x640x128xf32, #tpu.memory_space<hbm>>
      %dma_start3A_130 = tpu.memref_squeeze %dma_start3A_129 : memref<1x640x128xf32, #tpu.memory_space<hbm>> -> memref<640x128xf32, #tpu.memory_space<hbm>>
      %dma_start3A_131 = arith.constant 0 : i32
      %dma_start3A_132 = tpu.memref_slice %arg12[%mul3A_127, %dma_start3A_131] : memref<10240x128xf32, #tpu.memory_space<vmem_shared>> -> memref<640x128xf32, #tpu.memory_space<vmem_shared>>
      tpu.enqueue_dma source(%dma_start3A_132 : memref<640x128xf32, #tpu.memory_space<vmem_shared>>) target(%dma_start3A_130 : memref<640x128xf32, #tpu.memory_space<hbm>>) target_semaphore(%run_scoped3A : memref<!tpu.dma_semaphore, #tpu.memory_space<semaphore_mem>>)
      %dma_wait3A_133 = arith.constant 0 : i32
      %dma_wait3A_134 = tpu.memref_slice %arg5[%arg0, %mul3A_127, %dma_wait3A_133] : memref<2x10240x128xf32, #tpu.memory_space<hbm>> -> memref<1x640x128xf32, #tpu.memory_space<hbm>>
      %dma_wait3A_135 = tpu.memref_squeeze %dma_wait3A_134 : memref<1x640x128xf32, #tpu.memory_space<hbm>> -> memref<640x128xf32, #tpu.memory_space<hbm>>
      %dma_wait3A_136 = arith.constant 0 : i32
      %dma_wait3A_137 = tpu.memref_slice %arg12[%mul3A_127, %dma_wait3A_136] : memref<10240x128xf32, #tpu.memory_space<vmem_shared>> -> memref<640x128xf32, #tpu.memory_space<vmem_shared>>
      tpu.wait_dma2 semaphore(%run_scoped3A : memref<!tpu.dma_semaphore, #tpu.memory_space<semaphore_mem>>) src(%dma_wait3A_137 : memref<640x128xf32, #tpu.memory_space<vmem_shared>>) dst(%dma_wait3A_135 : memref<640x128xf32, #tpu.memory_space<hbm>>)
      tpu.yield
    }) : () -> ()
    return
  }
}

module attributes {stable_mosaic.version = 14 : i64} {
  func.func @_dense1_body(%arg0: i32, %arg1: memref<5120x128xf32, #tpu.memory_space<vmem>>, %arg2: memref<128x128xf32, #tpu.memory_space<vmem>>, %arg3: memref<5120xf32, #tpu.memory_space<vmem>>, %arg4: memref<5120xf32, #tpu.memory_space<vmem>>, %arg5: memref<5120x128xf32, #tpu.memory_space<vmem>>) attributes {dimension_semantics = [#tpu.dimension_semantics<arbitrary>], iteration_bounds = array<i64: 2>, scalar_prefetch = 0 : i64, scratch_operands = 0 : i64, tpu.core_type = #tpu.core_type<tc>, window_params = [{transform_indices = @transform_0, window_bounds = array<i64: 5120, 128>}, {pipeline_mode = #tpu.pipeline_mode<synchronous>, transform_indices = @transform_1, window_bounds = array<i64: 128, 128>}, {transform_indices = @transform_2, window_bounds = array<i64: 5120>}, {transform_indices = @transform_3, window_bounds = array<i64: 5120>}, {transform_indices = @transform_4, window_bounds = array<i64: 5120, 128>}]} {
    %get3A = arith.constant 0 : index
    %get3A_0 = vector.load %arg3[%get3A] : memref<5120xf32, #tpu.memory_space<vmem>>, vector<5120xf32>
    %get3A_1 = arith.constant 0 : index
    %get3A_2 = vector.load %arg4[%get3A_1] : memref<5120xf32, #tpu.memory_space<vmem>>, vector<5120xf32>
    %add3A = arith.addf %get3A_0, %get3A_2 : vector<5120xf32>
    %add3A_3 = arith.constant 1.000000e+00 : f32
    %add3A_4 = vector.broadcast %add3A_3 : f32 to vector<5120xf32>
    %add3A_5 = arith.addf %add3A, %add3A_4 : vector<5120xf32>
    %rsqrt3A = math.rsqrt %add3A_5 : vector<5120xf32>
    %get3A_6 = arith.constant 0 : index
    %get3A_7 = arith.constant 0 : index
    %get3A_8 = vector.load %arg1[%get3A_6, %get3A_7] : memref<5120x128xf32, #tpu.memory_space<vmem>>, vector<5120x128xf32>
    %get3A_9 = arith.constant 0 : index
    %get3A_10 = arith.constant 0 : index
    %get3A_11 = vector.load %arg2[%get3A_9, %get3A_10] : memref<128x128xf32, #tpu.memory_space<vmem>>, vector<128x128xf32>
    %dot_general3A = arith.constant dense<0.000000e+00> : vector<5120x128xf32>
    %dot_general3A_12 = tpu.matmul %get3A_8, %get3A_11, %dot_general3A {dimension_numbers = #tpu.dot_dimension_numbers<[1], [0], [0], [1], [0, 0, 1, 1], [], []>, transpose_lhs_hint = false} : vector<5120x128xf32>, vector<128x128xf32>, vector<5120x128xf32> -> vector<5120x128xf32>
    %broadcast_in_dim3A = vector.shape_cast %rsqrt3A : vector<5120xf32> to vector<5120x1xf32>
    %mul3A = vector.broadcast %broadcast_in_dim3A : vector<5120x1xf32> to vector<5120x128xf32>
    %mul3A_13 = arith.mulf %dot_general3A_12, %mul3A : vector<5120x128xf32>
    %swap3A = arith.constant 0 : index
    %swap3A_14 = arith.constant 0 : index
    %swap3A_15 = vector.load %arg5[%swap3A, %swap3A_14] : memref<5120x128xf32, #tpu.memory_space<vmem>>, vector<5120x128xf32>
    tpu.vector_store %arg5[%swap3A, %swap3A_14], %mul3A_13 {strides = array<i32>} : memref<5120x128xf32, #tpu.memory_space<vmem>>, vector<5120x128xf32>,
    return
  }
  func.func @transform_0(%arg0: i32) -> (i32, i32) {
    %c0_i32 = arith.constant 0 : i32
    %c0_i32_0 = arith.constant 0 : i32
    return %arg0, %c0_i32 : i32, i32
  }
  func.func @transform_1(%arg0: i32) -> (i32, i32) {
    %c0_i32 = arith.constant 0 : i32
    %c0_i32_0 = arith.constant 0 : i32
    %c0_i32_1 = arith.constant 0 : i32
    return %c0_i32, %c0_i32_0 : i32, i32
  }
  func.func @transform_2(%arg0: i32) -> i32 {
    %c0_i32 = arith.constant 0 : i32
    return %arg0 : i32
  }
  func.func @transform_3(%arg0: i32) -> i32 {
    %c0_i32 = arith.constant 0 : i32
    return %arg0 : i32
  }
  func.func @transform_4(%arg0: i32) -> (i32, i32) {
    %c0_i32 = arith.constant 0 : i32
    %c0_i32_0 = arith.constant 0 : i32
    return %arg0, %c0_i32 : i32, i32
  }
}

module attributes {stable_mosaic.version = 14 : i64} {
  func.func @_dense2_body(%arg0: i32, %arg1: memref<2x5120x128xf32, #tpu.memory_space<vmem>>, %arg2: memref<5120x128xf32, #tpu.memory_space<vmem>>, %arg3: memref<5120xf32, #tpu.memory_space<vmem>>, %arg4: memref<5120xf32, #tpu.memory_space<vmem>>, %arg5: memref<128xf32, #tpu.memory_space<vmem>>, %arg6: memref<128x128xf32, #tpu.memory_space<vmem>>, %arg7: memref<5120x128xf32, #tpu.memory_space<vmem>>) attributes {dimension_semantics = [#tpu.dimension_semantics<arbitrary>], iteration_bounds = array<i64: 2>, scalar_prefetch = 0 : i64, scratch_operands = 0 : i64, tpu.core_type = #tpu.core_type<tc>, window_params = [{transform_indices = @transform_0, window_bounds = array<i64: 2, 5120, 128>}, {transform_indices = @transform_1, window_bounds = array<i64: 5120, 128>}, {transform_indices = @transform_2, window_bounds = array<i64: 5120>}, {transform_indices = @transform_3, window_bounds = array<i64: 5120>}, {pipeline_mode = #tpu.pipeline_mode<synchronous>, transform_indices = @transform_4, window_bounds = array<i64: 128>}, {pipeline_mode = #tpu.pipeline_mode<synchronous>, transform_indices = @transform_5, window_bounds = array<i64: 128, 128>}, {transform_indices = @transform_6, window_bounds = array<i64: 5120, 128>}]} {
    %get3A = arith.constant 0 : index
    %get3A_0 = vector.load %arg3[%get3A] : memref<5120xf32, #tpu.memory_space<vmem>>, vector<5120xf32>
    %get3A_1 = arith.constant 0 : index
    %get3A_2 = vector.load %arg4[%get3A_1] : memref<5120xf32, #tpu.memory_space<vmem>>, vector<5120xf32>
    %add3A = arith.addf %get3A_0, %get3A_2 : vector<5120xf32>
    %add3A_3 = arith.constant 1.000000e+00 : f32
    %add3A_4 = vector.broadcast %add3A_3 : f32 to vector<5120xf32>
    %add3A_5 = arith.addf %add3A, %add3A_4 : vector<5120xf32>
    %rsqrt3A = math.rsqrt %add3A_5 : vector<5120xf32>
    %broadcast_in_dim3A = vector.shape_cast %rsqrt3A : vector<5120xf32> to vector<5120x1xf32>
    %get3A_6 = arith.constant 0 : index
    %get3A_7 = arith.constant 0 : index
    %get3A_8 = arith.constant 0 : index
    %get3A_9 = vector.load %arg1[%get3A_6, %get3A_7, %get3A_8] : memref<2x5120x128xf32, #tpu.memory_space<vmem>>, vector<1x5120x128xf32>
    %get3A_10 = vector.shape_cast %get3A_9 : vector<1x5120x128xf32> to vector<5120x128xf32>
    %get3A_11 = arith.constant 1 : index
    %get3A_12 = arith.constant 0 : index
    %get3A_13 = arith.constant 0 : index
    %get3A_14 = vector.load %arg1[%get3A_11, %get3A_12, %get3A_13] : memref<2x5120x128xf32, #tpu.memory_space<vmem>>, vector<1x5120x128xf32>
    %get3A_15 = vector.shape_cast %get3A_14 : vector<1x5120x128xf32> to vector<5120x128xf32>
    %add3A_16 = arith.addf %get3A_10, %get3A_15 : vector<5120x128xf32>
    %get3A_17 = arith.constant 0 : index
    %get3A_18 = arith.constant 0 : index
    %get3A_19 = vector.load %arg2[%get3A_17, %get3A_18] : memref<5120x128xf32, #tpu.memory_space<vmem>>, vector<5120x128xf32>
    %add3A_20 = arith.addf %add3A_16, %get3A_19 : vector<5120x128xf32>
    %mul3A = vector.broadcast %broadcast_in_dim3A : vector<5120x1xf32> to vector<5120x128xf32>
    %mul3A_21 = arith.mulf %mul3A, %add3A_20 : vector<5120x128xf32>
    %get3A_22 = arith.constant 0 : index
    %get3A_23 = vector.load %arg5[%get3A_22] : memref<128xf32, #tpu.memory_space<vmem>>, vector<128xf32>
    %broadcast_in_dim3A_24 = vector.shape_cast %get3A_23 : vector<128xf32> to vector<1x128xf32>
    %add3A_25 = vector.broadcast %broadcast_in_dim3A_24 : vector<1x128xf32> to vector<5120x128xf32>
    %add3A_26 = arith.addf %mul3A_21, %add3A_25 : vector<5120x128xf32>
    %max3A = arith.constant 0.000000e+00 : f32
    %max3A_27 = vector.broadcast %max3A : f32 to vector<5120x128xf32>
    %max3A_28 = arith.maximumf %add3A_26, %max3A_27 : vector<5120x128xf32>
    %get3A_29 = arith.constant 0 : index
    %get3A_30 = arith.constant 0 : index
    %get3A_31 = vector.load %arg6[%get3A_29, %get3A_30] : memref<128x128xf32, #tpu.memory_space<vmem>>, vector<128x128xf32>
    %dot_general3A = arith.constant dense<0.000000e+00> : vector<5120x128xf32>
    %dot_general3A_32 = tpu.matmul %max3A_28, %get3A_31, %dot_general3A {dimension_numbers = #tpu.dot_dimension_numbers<[1], [0], [0], [1], [0, 0, 1, 1], [], []>, transpose_lhs_hint = false} : vector<5120x128xf32>, vector<128x128xf32>, vector<5120x128xf32> -> vector<5120x128xf32>
    %broadcast_in_dim3A_33 = vector.shape_cast %rsqrt3A : vector<5120xf32> to vector<5120x1xf32>
    %mul3A_34 = vector.broadcast %broadcast_in_dim3A_33 : vector<5120x1xf32> to vector<5120x128xf32>
    %mul3A_35 = arith.mulf %dot_general3A_32, %mul3A_34 : vector<5120x128xf32>
    %swap3A = arith.constant 0 : index
    %swap3A_36 = arith.constant 0 : index
    %swap3A_37 = vector.load %arg7[%swap3A, %swap3A_36] : memref<5120x128xf32, #tpu.memory_space<vmem>>, vector<5120x128xf32>
    tpu.vector_store %arg7[%swap3A, %swap3A_36], %mul3A_35 {strides = array<i32>} : memref<5120x128xf32, #tpu.memory_space<vmem>>, vector<5120x128xf32>,
    return
  }
  func.func @transform_0(%arg0: i32) -> (i32, i32, i32) {
    %c0_i32 = arith.constant 0 : i32
    %c0_i32_0 = arith.constant 0 : i32
    %c0_i32_1 = arith.constant 0 : i32
    return %c0_i32, %arg0, %c0_i32_0 : i32, i32, i32
  }
  func.func @transform_1(%arg0: i32) -> (i32, i32) {
    %c0_i32 = arith.constant 0 : i32
    %c0_i32_0 = arith.constant 0 : i32
    return %arg0, %c0_i32 : i32, i32
  }
  func.func @transform_2(%arg0: i32) -> i32 {
    %c0_i32 = arith.constant 0 : i32
    return %arg0 : i32
  }
  func.func @transform_3(%arg0: i32) -> i32 {
    %c0_i32 = arith.constant 0 : i32
    return %arg0 : i32
  }
  func.func @transform_4(%arg0: i32) -> i32 {
    %c0_i32 = arith.constant 0 : i32
    %c0_i32_0 = arith.constant 0 : i32
    return %c0_i32 : i32
  }
  func.func @transform_5(%arg0: i32) -> (i32, i32) {
    %c0_i32 = arith.constant 0 : i32
    %c0_i32_0 = arith.constant 0 : i32
    %c0_i32_1 = arith.constant 0 : i32
    return %c0_i32, %c0_i32_0 : i32, i32
  }
  func.func @transform_6(%arg0: i32) -> (i32, i32) {
    %c0_i32 = arith.constant 0 : i32
    %c0_i32_0 = arith.constant 0 : i32
    return %arg0, %c0_i32 : i32, i32
  }
}

module attributes {stable_mosaic.version = 14 : i64} {
  func.func @_dense3_body(%arg0: i32, %arg1: memref<2x5120x128xf32, #tpu.memory_space<vmem>>, %arg2: memref<5120x128xf32, #tpu.memory_space<vmem>>, %arg3: memref<5120xf32, #tpu.memory_space<vmem>>, %arg4: memref<5120xf32, #tpu.memory_space<vmem>>, %arg5: memref<128xf32, #tpu.memory_space<vmem>>, %arg6: memref<5120x128xf32, #tpu.memory_space<vmem>>) attributes {dimension_semantics = [#tpu.dimension_semantics<arbitrary>], iteration_bounds = array<i64: 2>, scalar_prefetch = 0 : i64, scratch_operands = 0 : i64, tpu.core_type = #tpu.core_type<tc>, window_params = [{transform_indices = @transform_0, window_bounds = array<i64: 2, 5120, 128>}, {transform_indices = @transform_1, window_bounds = array<i64: 5120, 128>}, {transform_indices = @transform_2, window_bounds = array<i64: 5120>}, {transform_indices = @transform_3, window_bounds = array<i64: 5120>}, {pipeline_mode = #tpu.pipeline_mode<synchronous>, transform_indices = @transform_4, window_bounds = array<i64: 128>}, {transform_indices = @transform_5, window_bounds = array<i64: 5120, 128>}]} {
    %get3A = arith.constant 0 : index
    %get3A_0 = vector.load %arg3[%get3A] : memref<5120xf32, #tpu.memory_space<vmem>>, vector<5120xf32>
    %get3A_1 = arith.constant 0 : index
    %get3A_2 = vector.load %arg4[%get3A_1] : memref<5120xf32, #tpu.memory_space<vmem>>, vector<5120xf32>
    %add3A = arith.addf %get3A_0, %get3A_2 : vector<5120xf32>
    %add3A_3 = arith.constant 1.000000e+00 : f32
    %add3A_4 = vector.broadcast %add3A_3 : f32 to vector<5120xf32>
    %add3A_5 = arith.addf %add3A, %add3A_4 : vector<5120xf32>
    %rsqrt3A = math.rsqrt %add3A_5 : vector<5120xf32>
    %broadcast_in_dim3A = vector.shape_cast %rsqrt3A : vector<5120xf32> to vector<5120x1xf32>
    %get3A_6 = arith.constant 0 : index
    %get3A_7 = arith.constant 0 : index
    %get3A_8 = arith.constant 0 : index
    %get3A_9 = vector.load %arg1[%get3A_6, %get3A_7, %get3A_8] : memref<2x5120x128xf32, #tpu.memory_space<vmem>>, vector<1x5120x128xf32>
    %get3A_10 = vector.shape_cast %get3A_9 : vector<1x5120x128xf32> to vector<5120x128xf32>
    %get3A_11 = arith.constant 1 : index
    %get3A_12 = arith.constant 0 : index
    %get3A_13 = arith.constant 0 : index
    %get3A_14 = vector.load %arg1[%get3A_11, %get3A_12, %get3A_13] : memref<2x5120x128xf32, #tpu.memory_space<vmem>>, vector<1x5120x128xf32>
    %get3A_15 = vector.shape_cast %get3A_14 : vector<1x5120x128xf32> to vector<5120x128xf32>
    %add3A_16 = arith.addf %get3A_10, %get3A_15 : vector<5120x128xf32>
    %get3A_17 = arith.constant 0 : index
    %get3A_18 = arith.constant 0 : index
    %get3A_19 = vector.load %arg2[%get3A_17, %get3A_18] : memref<5120x128xf32, #tpu.memory_space<vmem>>, vector<5120x128xf32>
    %add3A_20 = arith.addf %add3A_16, %get3A_19 : vector<5120x128xf32>
    %mul3A = vector.broadcast %broadcast_in_dim3A : vector<5120x1xf32> to vector<5120x128xf32>
    %mul3A_21 = arith.mulf %mul3A, %add3A_20 : vector<5120x128xf32>
    %get3A_22 = arith.constant 0 : index
    %get3A_23 = vector.load %arg5[%get3A_22] : memref<128xf32, #tpu.memory_space<vmem>>, vector<128xf32>
    %broadcast_in_dim3A_24 = vector.shape_cast %get3A_23 : vector<128xf32> to vector<1x128xf32>
    %add3A_25 = vector.broadcast %broadcast_in_dim3A_24 : vector<1x128xf32> to vector<5120x128xf32>
    %add3A_26 = arith.addf %mul3A_21, %add3A_25 : vector<5120x128xf32>
    %swap3A = arith.constant 0 : index
    %swap3A_27 = arith.constant 0 : index
    %swap3A_28 = vector.load %arg6[%swap3A, %swap3A_27] : memref<5120x128xf32, #tpu.memory_space<vmem>>, vector<5120x128xf32>
    tpu.vector_store %arg6[%swap3A, %swap3A_27], %add3A_26 {strides = array<i32>} : memref<5120x128xf32, #tpu.memory_space<vmem>>, vector<5120x128xf32>,
    return
  }
  func.func @transform_0(%arg0: i32) -> (i32, i32, i32) {
    %c0_i32 = arith.constant 0 : i32
    %c0_i32_0 = arith.constant 0 : i32
    %c0_i32_1 = arith.constant 0 : i32
    return %c0_i32, %arg0, %c0_i32_0 : i32, i32, i32
  }
  func.func @transform_1(%arg0: i32) -> (i32, i32) {
    %c0_i32 = arith.constant 0 : i32
    %c0_i32_0 = arith.constant 0 : i32
    return %arg0, %c0_i32 : i32, i32
  }
  func.func @transform_2(%arg0: i32) -> i32 {
    %c0_i32 = arith.constant 0 : i32
    return %arg0 : i32
  }
  func.func @transform_3(%arg0: i32) -> i32 {
    %c0_i32 = arith.constant 0 : i32
    return %arg0 : i32
  }
  func.func @transform_4(%arg0: i32) -> i32 {
    %c0_i32 = arith.constant 0 : i32
    %c0_i32_0 = arith.constant 0 : i32
    return %c0_i32 : i32
  }
  func.func @transform_5(%arg0: i32) -> (i32, i32) {
    %c0_i32 = arith.constant 0 : i32
    %c0_i32_0 = arith.constant 0 : i32
    return %arg0, %c0_i32 : i32, i32
  }
}

</mosaic_0001>

<sc_bundles>
// kernel: kernel.11.cloned.1.call-start
scs
__scs_entry_jumppad:
0x0: {  	(pc) =	sbr.rel $0x88, $3  }
0x1: {  	(tag) =	ssettag $0x0;
	lr =	simm.s32 $0x1  }
0x2: {  	[smem:$0x3F9B] =	sst lr;
	_ =	strace $0xD0000000  }
0x3: {  	_ = 	snop  }
0x4: {  	_ = 	snop  }
0x5: {  	_ = 	snop  }
0x6: {  	_ = 	snop  }
0x7: {  	_ = 	snop  }
__scs_overlays_trampoline_lowered:
0x8: {  	[smem:$0x3FAA] =	sst s0  }
0x9: {  	[smem:$0x3FAB] =	sst s1  }
0xa: {  	[smem:$0x3FAC] =	sst s2  }
0xb: {  	[smem:$0x3FAD] =	sst s3  }
0xc: {  	[smem:$0x3FAE] =	sst s4  }
0xd: {  	[smem:$0x3FAF] =	sst s5  }
0xe: {  	[smem:$0x3FB0] =	sst s6  }
0xf: {  	[smem:$0x3FB1] =	sst s7  }
0x10: {  	[smem:$0x3FB2] =	sst s8  }
0x11: {  	[smem:$0x3FB3] =	sst s9;
	s0 =	simm.s32 @!p0 $0x0  }
0x12: {  	s1 =	sld [smem:$0x3F99];
	s0 =	simm.s32 @p0 $0x1  }
0x13: {  	[smem:$0x3FB4] =	sst s0;
	s0 =	simm.s32 @!p1 $0x0  }
0x14: {  	s2 =	sld [smem:$0x3F98];
	s0 =	simm.s32 @p1 $0x1  }
0x15: {  	[smem:$0x3FB5] =	sst s0;
	s0 =	simm.s32 @!p2 $0x0  }
0x16: {  	s3 =	sld [smem:$0x3FDB];
	s0 =	simm.s32 @p2 $0x1  }
0x17: {  	s4 =	simm.s32 $0x1BF5;
	[smem:$0x3FB7] =	sst s0  }
0x18: {  	s0 =	sld [smem:$0x3F9A];
	_ =	swait.ge [sflag:s4], $0x0  }
0x19: {  	s7 =	sld [smem:$0x3F9B]  }
0x1a: {  	s8 =	sadd.s32 $0xFFFFE003, lr  }
0x1b: {  	s9 =	sadd.s32 $0xFFFFFEF7, lr;
	s5 =	simm.s32 $0xFFFFFFFF;
	p2 =	slt.u32 s8, $0xFFFFF086  }
0x1c: {  	p1 =	slt.u32 s9, $0xF7A;
	s5 =	simm.s32 @!p2 $0x0  }
0x1d: {  	s5 =	simm.s32 @p1 $0x1;
	p0 =	seq.s32 s7, s2  }
0x1e: {  	s7 =	smul.u32 @!p0 $0xF7A, s2;
	p2 =	seq.s32 @!p0 s5, $0x0  }
0x1f: {  	s9 =	smul.u32 $0xF7A, s1;
	s8 =	simm.s32 @!p0 $0x1BF5;
	p2 =	por !p2, p0  }
0x20: {  	[sflag:s8] =	ssyncset.s32 @!p0 $0xFFFFF086;
	s6 =	sadd.s32 @!p0 s3, s7;
	s7 =	simm.s32 @!p0 $0x108  }
0x21: {  	s3 =	sadd.s32 s3, s9;
	s6 =	sadd.s32 @!p0 $0x88, s6;
	s7 =	simm.s32 @p2 $0x1082  }
0x22: {  	[simem:s7], [sflag:s8] =	dma.local @!p0 [hbm:s6], $0xF7A  }
0x23: {  	s9 =	sor.u32 $0xD0000000, s2;
	s6 =	simm.s32 $0x108;
	_ =	swait.ge @!p0 [sflag:s8], $0x0  }
0x24: {  	s3 =	sadd.s32 $0x88, s3;
	s6 =	simm.s32 @!p1 $0x1082;
	[sflag:s4] =	ssyncset.s32 $0xFFFFF086  }
0x25: {  	[simem:s6], [sflag:s4] =	dma.local [hbm:s3], $0xF7A  }
0x26: {  	[smem:$0x3F9B] =	sst s1;
	(tag) =	ssettag s2;
	_ =	strace s9  }
0x27: {  	s1 =	sld [smem:$0x3FAB]  }
0x28: {  	s2 =	sld [smem:$0x3FAC]  }
0x29: {  	s4 =	sld [smem:$0x3FAE]  }
0x2a: {  	p0 =	seq.s32 s5, $0x0;
	s5 =	sld [smem:$0x3FAF]  }
0x2b: {  	s6 =	sld [smem:$0x3FB0]  }
0x2c: {  	s7 =	sld [smem:$0x3FB1]  }
0x2d: {  	s3 =	simm.s32 $0x108;
	s8 =	sld [smem:$0x3FB2]  }
0x2e: {  	s3 =	simm.s32 @!p0 $0x1082;
	s9 =	sld [smem:$0x3FB3]  }
0x2f: {  	lr =	sadd.s32 s0, s3;
	s0 =	sld [smem:$0x3FAA]  }
0x30: {  	s3 =	sld [smem:$0x3FAD]  }
0x31: {  	[smem:$0x3FB6] =	sst s10  }
0x32: {  	s10 =	sld [smem:$0x3FB4];
	_ =	sdelay $0x3  }
0x33: {  	p0 =	seq.s32 s10, $0x1;
	s10 =	sld [smem:$0x3FB6];
	_ =	sdelay $0x3  }
0x34: {  	[smem:$0x3FB6] =	sst s10  }
0x35: {  	s10 =	sld [smem:$0x3FB5];
	_ =	sdelay $0x3  }
0x36: {  	p1 =	seq.s32 s10, $0x1;
	s10 =	sld [smem:$0x3FB6];
	_ =	sdelay $0x3  }
0x37: {  	[smem:$0x3FB6] =	sst s10  }
0x38: {  	s10 =	sld [smem:$0x3FB7]  }
0x39: {  	_ = 	snop;
	(pc) =	sbr.ind lr, $3  }
0x3a: {  	_ = 	snop  }
0x3b: {  	_ = 	snop  }
0x3c: {  	p2 =	seq.s32 s10, $0x1;
	s10 =	sld [smem:$0x3FB6]  }
0x3d: {  	_ =	shalt  }
0x3e: {  	_ =	shalt  }
0x3f: {  	_ =	shalt  }
0x40: {  	_ =	shalt  }
0x41: {  	_ =	shalt  }
0x42: {  	_ =	shalt  }
0x43: {  	_ =	shalt  }
0x44: {  	_ =	shalt  }
0x45: {  	_ =	shalt  }
0x46: {  	_ =	shalt  }
0x47: {  	_ =	shalt  }
0x48: {  	_ =	shalt  }
0x49: {  	_ =	shalt  }
0x4a: {  	_ =	shalt  }
0x4b: {  	_ =	shalt  }
0x4c: {  	_ =	shalt  }
0x4d: {  	_ =	shalt  }
0x4e: {  	_ =	shalt  }
0x4f: {  	_ =	shalt  }
0x50: {  	_ =	shalt  }
0x51: {  	_ =	shalt  }
0x52: {  	_ =	shalt  }
0x53: {  	_ =	shalt  }
0x54: {  	_ =	shalt  }
0x55: {  	_ =	shalt  }
0x56: {  	_ =	shalt  }
0x57: {  	_ =	shalt  }
0x58: {  	_ =	shalt  }
0x59: {  	_ =	shalt  }
0x5a: {  	_ =	shalt  }
0x5b: {  	_ =	shalt  }
0x5c: {  	_ =	shalt  }
0x5d: {  	_ =	shalt  }
0x5e: {  	_ =	shalt  }
0x5f: {  	_ =	shalt  }
0x60: {  	_ =	shalt  }
0x61: {  	_ =	shalt  }
0x62: {  	_ =	shalt  }
0x63: {  	_ =	shalt  }
0x64: {  	_ =	shalt  }
0x65: {  	_ =	shalt  }
0x66: {  	_ =	shalt  }
0x67: {  	_ =	shalt  }
0x68: {  	_ =	shalt  }
0x69: {  	_ =	shalt  }
0x6a: {  	_ =	shalt  }
0x6b: {  	_ =	shalt  }
0x6c: {  	_ =	shalt  }
0x6d: {  	_ =	shalt  }
0x6e: {  	_ =	shalt  }
0x6f: {  	_ =	shalt  }
0x70: {  	_ =	shalt  }
0x71: {  	_ =	shalt  }
0x72: {  	_ =	shalt  }
0x73: {  	_ =	shalt  }
0x74: {  	_ =	shalt  }
0x75: {  	_ =	shalt  }
0x76: {  	_ =	shalt  }
0x77: {  	_ =	shalt  }
0x78: {  	_ =	shalt  }
0x79: {  	_ =	shalt  }
0x7a: {  	_ =	shalt  }
0x7b: {  	_ =	shalt  }
0x7c: {  	_ =	shalt  }
0x7d: {  	_ =	shalt  }
0x7e: {  	_ =	shalt  }
0x7f: {  	_ =	shalt  }
0x80: {  	_ =	shalt  }
0x81: {  	_ =	shalt  }
0x82: {  	_ =	shalt  }
0x83: {  	_ =	shalt  }
0x84: {  	_ =	shalt  }
0x85: {  	_ =	shalt  }
0x86: {  	_ =	shalt  }
0x87: {  	_ =	shalt  }
.Lfunc_end0:
.L_simem_size_0:
called_computation.1_lowered:
.L_overlay_start_0:
0x88: {  	s2 =	sld [smem:$0x3FD9]  }
0x89: {  	s3 =	sld [smem:$0x3FFE];
	_ =	sdelay $0x1  }
0x8a: {  	s1 =	srdreg.scid  }
0x8b: {  	s0 =	sand.u32 $0x1, s1  }
0x8c: {  	s17 =	sshll.u32 s0, $0xA;
	s2 =	sadd.s32 s3, s2  }
0x8d: {  	s2 =	sadd.s32 s2, s17  }
0x8e: {  	[smem:$0x3FC2] =	sst s2  }
0x8f: {  	_ = 	snop  }
0x90: {  	s2 =	sld [smem:$0x3FD0];
	(tm) =	ssettm $0x1  }
0x91: {  	s18 =	sld [smem:$0x3FFB];
	_ =	sdelay $0x3  }
0x92: {  	_ =	strace s18  }
0x93: {  	s3 =	sld [smem:$0x3FFC];
	_ =	sdelay $0x3  }
0x94: {  	_ =	strace s3  }
0x95: {  	s3 =	sld [smem:$0x3FFD];
	_ =	sdelay $0x3  }
0x96: {  	_ =	strace s3  }
0x97: {  	_ =	strace $0x8FFFFFFF  }
0x98: {  	s19 =	sld [smem:$0x3FDB];
	_ =	sdelay $0x1  }
0x99: {  	s4 =	simm.s32 $_scs_section_size  }
0x9a: {  	s5 =	simm.s32 $_size__tile_overlayer_lowered;
	s6 =	simm.s32 $_tile_overlayer_lowered  }
0x9b: {  	s22 =	simm.s32 $0x1BFF;
	s21 =	sshll.u32 s6, $0x1;
	s3 =	sadd.s32 s4, s19  }
0x9c: {  	s7 =	simm.s32 $0x0;
	s20 =	sshll.u32 s5, $0x1;
	s5 =	sadd.s32 s21, s3  }
0x9d: {  	[timem:s7], [sflag:s22] =	dma.local [hbm:s5], s20  }
0x9e: {  	_ =	swait.ge [sflag:s22], s20  }
0x9f: {  	s4 =	ssub.s32 $0x0, s20;
	[sflag:s22] =	ssyncset.done $0x0  }
0xa0: {  	[sflag:s22] =	ssyncadd.s32 s4;
	_ =	sdelay $0x1  }
0xa1: {  	s23 =	simm.s32 $0x1B8B  }
0xa2: {  	_ =	swait.ge [sflag:s23], $0x1  }
0xa3: {  	[sflag:s23] =	ssyncset.done $0x0  }
0xa4: {  	s25 =	simm.s32 $0x1B8E;
	s24 =	sld [smem:$0x3FFE];
	[sflag:s23] =	ssyncadd.s32 $0xFFFFFFFF  }
0xa5: {  	s26 =	simm.s32 $execute0_lowered;
	[smem:$0x3FD2] =	sst s25  }
0xa6: {  	s5 =	sshll.u32 s26, $0x1;
	_ =	strace $0x80000049;
	[dreg:$0x1] =	wrdreg $0xFFFFFFFF  }
0xa7: {  	s28 =	simm.s32 $_size_execute0_lowered;
	s3 =	sadd.s32 s3, s5;
	[dreg:$0x0] =	wrdreg $0x0  }
0xa8: {  	s5 =	sshll.u32 s28, $0x1;
	[dreg:$0x2] =	wrdreg s3  }
0xa9: {  	[dreg:$0x3] =	wrdreg s5  }
0xaa: {  	[dreg:$0x4] =	wrdreg $0xC0  }
0xab: {  	_ =	task [dreg:s7], $0x5FFFF  }
0xac: {  	[dreg:$0x1] =	wrdreg $0xFFFFFFFF  }
0xad: {  	[dreg:$0x0] =	wrdreg $0x60  }
0xae: {  	[dreg:$0x2] =	wrdreg s2  }
0xaf: {  	[dreg:$0x3] =	wrdreg s24  }
0xb0: {  	[dreg:$0x4] =	wrdreg $0xB7000  }
0xb1: {  	[dreg:$0x5] =	wrdreg $0x9  }
0xb2: {  	_ =	task.clear_ibuf [dreg:s7], $0x6FFFF;
	_ =	strace $0x90000049  }
0xb3: {  	s29 =	simm.s32 $0x9;
	_ =	strace $0x8000004B  }
0xb4: {  	_ =	swait.ge [sflag:s29], $0x1  }
0xb5: {  	[sflag:s29] =	ssyncadd.s32 $0xFFFFFFFF  }
0xb6: {  	_ =	strace $0x9000004B  }
0xb7: {  	_ =	sfence  }
0xb8: {  	s30 =	sld [smem:$0x0];
	_ =	sdelay $0x2  }
0xb9: {  	s31 =	sshll.u32 s1, $0xD;
	s1 =	sshrl.u32 s1, $0x2  }
0xba: {  	s3 =	sand.u32 $0x4000, s31;
	s1 =	sadd.s32 s1, s30  }
0xbb: {  	s0 =	sor.u32 s3, s0;
	s1 =	sshll.u32 s1, $0x11  }
0xbc: {  	s0 =	sor.u32 s1, s0  }
0xbd: {  	s0 =	sadd.s32 $0x8F2B, s0  }
0xbe: {  	[sflag:s0] =	ssyncadd.remote.s32 $0x1  }
0xbf: {  	_ =	sfence.sel $0xFFFF  }
0xc0: {  	[dreg:$0x0] =	wrdreg $0xFFFFFFFF;
	(pc) =	sbr.abs _section_cstart, $3  }
0xc1: {  	[dreg:$0x1] =	wrdreg $0xFFFFFFFF  }
0xc2: {  	_ =	task.clear_ibuf [dreg:s7], $0x2FFFF;
	_ =	strace $0x9FFFFFFF  }
0xc3: {  	(tm) =	ssettm $0x7FFFFFFF  }
tec
execute0_lowered:
.L_overlay_start_1:
0x0: {  	(tag) =	ssettag $0x1  }
0x1: {  	s1 =	rddreg [dreg:$0x0]  }
0x2: {  	s0 =	rddreg [dreg:$0x1]  }
0x3: {  	s2 =	rddreg [dreg:$0x2];
	s3 =	srdreg.scid  }
0x4: {  	s4 =	simm.s32 $0x0;
	s13 =	stileid.u32;
	s28 =	simm.s32 $0x1  }
0x5: {  	s29 =	simm.s32 $0x6;
	s30 =	simm.s32 $0x7B00;
	s31 =	simm.s32 $0x80  }
0x6: {  	s3 =	sand.u32 $0x1, s3;
	[smem:$0x7FF] =	sst s4;
	s7 =	smul.u32 $0x14000, s13  }
0x7: {  	s9 =	sadd.s32 $0x2800, s0;
	s5 =	sadd.s32 $0x17800, s0;
	s10 =	smul.u32 $0x50000, s13  }
0x8: {  	s11 =	sshll.u32 s13, $0x6;
	s6 =	smul.u32 $0x140000, s3;
	_ =	strace $0x8000004A  }
0x9: {  	s16 =	ssub.s32 $0x2, s3;
	s18 =	sshll.u32 s3, $0x4;
	[dreg:$0x4] =	wrdreg s11  }
0xa: {  	s3 =	smul.u32 $0xA800, s3;
	s8 =	sshrl.u32 s16, $0x1;
	s19 =	sor.u32 s13, s18  }
0xb: {  	s20 =	sshrl.u32 s10, $0x2;
	s13 =	smul.u32 $0xA80, s13;
	s6 =	sadd.s32 s7, s6  }
0xc: {  	s17 =	ssub.s32 s16, s8;
	s10 =	sadd.s32 s20, s2;
	s7 =	sor.u32 $0x1C07, s11  }
0xd: {  	s8 =	smul.u32 $0xA80, s19;
	s24 =	sadd.s32 s3, s9;
	s19 =	simm.s32 $0x100  }
0xe: {  	s20 =	simm.s32 $0x200;
	s3 =	simm.s32 $0x2;
	s11 =	simm.s32 $0x0  }
0xf: {  	s6 =	sshrl.u32 s6, $0x3;
	s21 =	sadd.s32 $0x4000, s10;
	s12 =	sadd.s32 $0x8000, s10  }
0x10: {  	s15 =	sadd.s32 $0xC000, s10;
	s18 =	sadd.s32 $0x10000, s10;
	s23 =	smax.u32 s17, $0x1  }
0x11: {  	s13 =	sadd.s32 s13, s24;
	s24 =	simm.s32 $0x5;
	s0 =	sadd.s32 s6, s0  }
0x12: {  	s8 =	sadd.s32 s9, s8;
	[dreg:$0x8] =	wrdreg s23;
	s25 =	sshrl.u32 s21, $0x3  }
0x13: {  	s26 =	sshrl.u32 s12, $0x3;
	s17 =	sshrl.u32 s15, $0x3;
	s18 =	sshrl.u32 s18, $0x3  }
0x14: {  	s21 =	simm.s32 $0x4;
	s23 =	simm.s32 $0x300;
	[dreg:$0x9] =	wrdreg s25  }
0x15: {  	s6 =	simm.s32 $0x180;
	s14 =	sadd.s32 $0x20, s8;
	[dreg:$0xa] =	wrdreg s26  }
0x16: {  	s9 =	simm.s32 $0x3;
	s22 =	sadd.s32 $0x40, s8;
	[dreg:$0x5] =	wrdreg s14  }
0x17: {  	s0 =	sadd.s32 $0x18000, s0;
	s25 =	simm.s32 $0x3F00;
	[dreg:$0x6] =	wrdreg s22  }
0x18: {  	s26 =	simm.s32 $0x7;
	[dreg:$0x7] =	wrdreg s0;
	s14 =	sshrl.u32 s10, $0x3  }
0x19: {  	s22 =	simm.s32 $0x78;
	s0 =	simm.s32 $0x8;
	s10 =	simm.s32 $0x280  }
.LBB2_1:
0x1a: {  	[spmem:s14], [sflag:s7] =	dma.local [hbm:s5], $0x800  }
0x1b: {  	s12 =	rddreg [dreg:$0x9]  }
0x1c: {  	[spmem:s12], [sflag:s7] =	dma.local [hbm:s5], $0x800  }
0x1d: {  	s12 =	rddreg [dreg:$0xa]  }
0x1e: {  	[spmem:s12], [sflag:s7] =	dma.local [hbm:s5], $0x800  }
0x1f: {  	[spmem:s17], [sflag:s7] =	dma.local [hbm:s5], $0x800  }
0x20: {  	[spmem:s18], [sflag:s7] =	dma.local [hbm:s5], $0x800  }
0x21: {  	[tilespmem:s4], [sflag:$0x4] =	stream.linear.gather [hbm4b:s8+s4], $0x100, $0x38;
	[tilespmem:$0x1F700] =	vst v63  }
0x22: {  	s16 =	rddreg [dreg:$0x5]  }
0x23: {  	[tilespmem:s19], [sflag:$0x5] =	stream.linear.gather [hbm4b:s16+s4], $0x100, $0x38;
	[tilespmem:$0x1F700] =	vst v63  }
0x24: {  	s15 =	rddreg [dreg:$0x6]  }
0x25: {  	[tilespmem:s20], [sflag:$0x6] =	stream.linear.gather [hbm4b:s15+s4], $0x100, $0x38;
	[tilespmem:$0x1F700] =	vst v63  }
0x26: {  	_ =	swait.ge [sflag:s21], $0x100  }
0x27: {  	[sflag:s21] =	ssyncset.done $0x0  }
0x28: {  	[sflag:s21] =	ssyncadd.s32 $0xFFFFFF00  }
0x29: {  	[tilespmem:s23], [sflag:$0x1] =	stream.indirect.gather [hbm4b:s1+s22], $0x80, s4, s22, $0xb8;
	[tilespmem:$0x1F700] =	vst v63  }
0x2a: {  	_ =	swait.ge [sflag:s24], $0x100  }
0x2b: {  	[sflag:s24] =	ssyncset.done $0x0  }
0x2c: {  	[sflag:s24] =	ssyncadd.s32 $0xFFFFFF00  }
0x2d: {  	[tilespmem:s25], [sflag:$0x2] =	stream.indirect.gather [hbm4b:s1+s22], $0x80, s19, s22, $0xb8;
	[tilespmem:$0x1F700] =	vst v63  }
0x2e: {  	_ =	swait.ge [sflag:s26], $0x800  }
0x2f: {  	[sflag:s26] =	ssyncset.done $0x0  }
0x30: {  	[sflag:s26] =	ssyncadd.s32 $0xFFFFF800  }
0x31: {  	_ =	swait.ge [sflag:s26], $0x800  }
0x32: {  	[sflag:s26] =	ssyncset.done $0x0  }
0x33: {  	[sflag:s26] =	ssyncadd.s32 $0xFFFFF800  }
0x34: {  	_ =	swait.ge [sflag:s26], $0x800  }
0x35: {  	[sflag:s26] =	ssyncset.done $0x0  }
0x36: {  	[sflag:s26] =	ssyncadd.s32 $0xFFFFF800  }
0x37: {  	_ =	swait.ge [sflag:s26], $0x800  }
0x38: {  	[sflag:s26] =	ssyncset.done $0x0  }
0x39: {  	[sflag:s26] =	ssyncadd.s32 $0xFFFFF800  }
0x3a: {  	_ =	swait.ge [sflag:s26], $0x800  }
0x3b: {  	[sflag:s26] =	ssyncset.done $0x0  }
0x3c: {  	[sflag:s26] =	ssyncadd.s32 $0xFFFFF800  }
0x3d: {  	[bflag:$0x0] =	sbarrier.arrive $0xFFFF  }
0x3e: {  	_ =	swait.ge [sflag:s28], $0x3C00  }
0x3f: {  	[sflag:s28] =	ssyncset.done $0x0  }
0x40: {  	[sflag:s28] =	ssyncadd.s32 $0xFFFFC400  }
0x41: {  	_ =	swait.ge [sflag:s29], $0x100  }
0x42: {  	[sflag:s29] =	ssyncset.done $0x0  }
0x43: {  	[sflag:s29] =	ssyncadd.s32 $0xFFFFFF00  }
0x44: {  	[tilespmem:s30], [sflag:$0x3] =	stream.indirect.gather [hbm4b:s1+s22], $0x80, s20, s22, $0xb8;
	[tilespmem:$0x1F700] =	vst v63  }
0x45: {  	_ = 	snop  }
0x46: {  	[spmem:s2] =	stream.indirect.scatter.add.f32 [tilespmem:s23], [sflag:$0x8], $0x80, s31, s22, $0xb8;
	[tilespmem:$0x1F700] =	vst v63  }
0x47: {  	_ =	swait.ge [sflag:s0], $0x3C00  }
0x48: {  	s15 =	sadd.s32 $0xFFFFF5E0, s13;
	[sflag:s0] =	ssyncset.done $0x0  }
0x49: {  	s16 =	sadd.s32 $0xA80, s15;
	[sflag:s0] =	ssyncadd.s32 $0xFFFFC400  }
0x4a: {  	[tilespmem:s4], [sflag:$0x4] =	stream.linear.gather [hbm4b:s16+s4], $0x100, $0x38;
	[tilespmem:$0x1F700] =	vst v63  }
0x4b: {  	_ =	swait.ge [sflag:s3], $0x3C00  }
0x4c: {  	[sflag:s3] =	ssyncset.done $0x0  }
0x4d: {  	[sflag:s3] =	ssyncadd.s32 $0xFFFFC400  }
0x4e: {  	_ =	swait.ge [sflag:s21], $0x100  }
0x4f: {  	[sflag:s21] =	ssyncset.done $0x0  }
0x50: {  	[sflag:s21] =	ssyncadd.s32 $0xFFFFFF00  }
0x51: {  	[tilespmem:s23], [sflag:$0x1] =	stream.indirect.gather [hbm4b:s1+s22], $0x80, s4, s22, $0xb8;
	[tilespmem:$0x1F700] =	vst v63  }
0x52: {  	_ = 	snop  }
0x53: {  	[spmem:s2] =	stream.indirect.scatter.add.f32 [tilespmem:s25], [sflag:$0x8], $0x80, s6, s22, $0xb8;
	[tilespmem:$0x1F700] =	vst v63  }
0x54: {  	_ =	swait.ge [sflag:s0], $0x3C00  }
0x55: {  	[sflag:s0] =	ssyncset.done $0x0  }
0x56: {  	s16 =	sadd.s32 $0xAA0, s15;
	[sflag:s0] =	ssyncadd.s32 $0xFFFFC400  }
0x57: {  	[tilespmem:s19], [sflag:$0x5] =	stream.linear.gather [hbm4b:s16+s4], $0x100, $0x38;
	[tilespmem:$0x1F700] =	vst v63  }
0x58: {  	_ =	swait.ge [sflag:s9], $0x3C00  }
0x59: {  	[sflag:s9] =	ssyncset.done $0x0  }
0x5a: {  	[sflag:s9] =	ssyncadd.s32 $0xFFFFC400  }
0x5b: {  	_ =	swait.ge [sflag:s24], $0x100  }
0x5c: {  	[sflag:s24] =	ssyncset.done $0x0  }
0x5d: {  	[sflag:s24] =	ssyncadd.s32 $0xFFFFFF00  }
0x5e: {  	[tilespmem:s25], [sflag:$0x2] =	stream.indirect.gather [hbm4b:s1+s22], $0x80, s19, s22, $0xb8;
	[tilespmem:$0x1F700] =	vst v63  }
0x5f: {  	_ = 	snop  }
0x60: {  	[spmem:s2] =	stream.indirect.scatter.add.f32 [tilespmem:s30], [sflag:$0x8], $0x80, s10, s22, $0xb8;
	[tilespmem:$0x1F700] =	vst v63  }
0x61: {  	_ =	swait.ge [sflag:s0], $0x3C00  }
0x62: {  	[sflag:s0] =	ssyncset.done $0x0  }
0x63: {  	s12 =	simm.s32 $0xFFFFF640;
	s15 =	sadd.s32 $0xAC0, s15;
	[sflag:s0] =	ssyncadd.s32 $0xFFFFC400  }
.LBB2_2:
0x64: {  	[tilespmem:s20], [sflag:$0x6] =	stream.linear.gather [hbm4b:s15+s4], $0x100, $0x38;
	[tilespmem:$0x1F700] =	vst v63  }
0x65: {  	s15 =	smov.u32 s12  }
0x66: {  	p0 =	sne.s32 s12, $0xFFFFFFA0;
	s12 =	sadd.s32 $0x60, s12;
	_ =	swait.ge [sflag:s28], $0x3C00  }
0x67: {  	[sflag:s28] =	ssyncset.done $0x0  }
0x68: {  	[sflag:s28] =	ssyncadd.s32 $0xFFFFC400  }
0x69: {  	_ =	swait.ge [sflag:s29], $0x100  }
0x6a: {  	[sflag:s29] =	ssyncset.done $0x0  }
0x6b: {  	[sflag:s29] =	ssyncadd.s32 $0xFFFFFF00  }
0x6c: {  	[tilespmem:s30], [sflag:$0x3] =	stream.indirect.gather [hbm4b:s1+s22], $0x80, s20, s22, $0xb8;
	[tilespmem:$0x1F700] =	vst v63  }
0x6d: {  	_ = 	snop  }
0x6e: {  	[spmem:s2] =	stream.indirect.scatter.add.f32 [tilespmem:s23], [sflag:$0x8], $0x80, s31, s22, $0xb8;
	[tilespmem:$0x1F700] =	vst v63  }
0x6f: {  	_ =	swait.ge [sflag:s0], $0x3C00  }
0x70: {  	s15 =	sadd.s32 s15, s13;
	[sflag:s0] =	ssyncset.done $0x0  }
0x71: {  	s16 =	sadd.s32 $0xA80, s15;
	[sflag:s0] =	ssyncadd.s32 $0xFFFFC400  }
0x72: {  	[tilespmem:s4], [sflag:$0x4] =	stream.linear.gather [hbm4b:s16+s4], $0x100, $0x38;
	[tilespmem:$0x1F700] =	vst v63  }
0x73: {  	_ =	swait.ge [sflag:s3], $0x3C00  }
0x74: {  	[sflag:s3] =	ssyncset.done $0x0  }
0x75: {  	[sflag:s3] =	ssyncadd.s32 $0xFFFFC400  }
0x76: {  	_ =	swait.ge [sflag:s21], $0x100  }
0x77: {  	[sflag:s21] =	ssyncset.done $0x0  }
0x78: {  	[sflag:s21] =	ssyncadd.s32 $0xFFFFFF00  }
0x79: {  	[tilespmem:s23], [sflag:$0x1] =	stream.indirect.gather [hbm4b:s1+s22], $0x80, s4, s22, $0xb8;
	[tilespmem:$0x1F700] =	vst v63  }
0x7a: {  	_ = 	snop  }
0x7b: {  	[spmem:s2] =	stream.indirect.scatter.add.f32 [tilespmem:s25], [sflag:$0x8], $0x80, s6, s22, $0xb8;
	[tilespmem:$0x1F700] =	vst v63  }
0x7c: {  	_ =	swait.ge [sflag:s0], $0x3C00  }
0x7d: {  	[sflag:s0] =	ssyncset.done $0x0  }
0x7e: {  	s16 =	sadd.s32 $0xAA0, s15;
	[sflag:s0] =	ssyncadd.s32 $0xFFFFC400  }
0x7f: {  	[tilespmem:s19], [sflag:$0x5] =	stream.linear.gather [hbm4b:s16+s4], $0x100, $0x38;
	[tilespmem:$0x1F700] =	vst v63  }
0x80: {  	_ =	swait.ge [sflag:s9], $0x3C00  }
0x81: {  	[sflag:s9] =	ssyncset.done $0x0  }
0x82: {  	[sflag:s9] =	ssyncadd.s32 $0xFFFFC400  }
0x83: {  	_ =	swait.ge [sflag:s24], $0x100  }
0x84: {  	[sflag:s24] =	ssyncset.done $0x0  }
0x85: {  	[sflag:s24] =	ssyncadd.s32 $0xFFFFFF00  }
0x86: {  	[tilespmem:s25], [sflag:$0x2] =	stream.indirect.gather [hbm4b:s1+s22], $0x80, s19, s22, $0xb8;
	[tilespmem:$0x1F700] =	vst v63  }
.Ltmp0:
0x87: {  	(pc) =	sbr.rel @p0 .LBB2_2-.Ltmp0, $4  }
0x88: {  	[spmem:s2] =	stream.indirect.scatter.add.f32 [tilespmem:s30], [sflag:$0x8], $0x80, s10, s22, $0xb8;
	[tilespmem:$0x1F700] =	vst v63  }
0x89: {  	_ =	swait.ge [sflag:s0], $0x3C00  }
0x8a: {  	[sflag:s0] =	ssyncset.done $0x0  }
0x8b: {  	s15 =	sadd.s32 $0xAC0, s15;
	[sflag:s0] =	ssyncadd.s32 $0xFFFFC400  }
0x8c: {  	[tilespmem:s20], [sflag:$0x6] =	stream.linear.gather [hbm4b:s15+s4], $0x100, $0x38;
	[tilespmem:$0x1F700] =	vst v63  }
0x8d: {  	_ =	swait.ge [sflag:s28], $0x3C00  }
0x8e: {  	[sflag:s28] =	ssyncset.done $0x0  }
0x8f: {  	[sflag:s28] =	ssyncadd.s32 $0xFFFFC400  }
0x90: {  	_ =	swait.ge [sflag:s29], $0x100  }
0x91: {  	[sflag:s29] =	ssyncset.done $0x0  }
0x92: {  	[sflag:s29] =	ssyncadd.s32 $0xFFFFFF00  }
0x93: {  	[tilespmem:s30], [sflag:$0x3] =	stream.indirect.gather [hbm4b:s1+s22], $0x80, s20, s22, $0xb8;
	[tilespmem:$0x1F700] =	vst v63  }
0x94: {  	_ = 	snop  }
0x95: {  	[spmem:s2] =	stream.indirect.scatter.add.f32 [tilespmem:s23], [sflag:$0x8], $0x80, s31, s22, $0xb8;
	[tilespmem:$0x1F700] =	vst v63  }
0x96: {  	_ =	swait.ge [sflag:s0], $0x3C00  }
0x97: {  	[sflag:s0] =	ssyncset.done $0x0  }
0x98: {  	[sflag:s0] =	ssyncadd.s32 $0xFFFFC400  }
0x99: {  	_ =	swait.ge [sflag:s3], $0x3C00  }
0x9a: {  	[sflag:s3] =	ssyncset.done $0x0  }
0x9b: {  	[sflag:s3] =	ssyncadd.s32 $0xFFFFC400  }
0x9c: {  	[spmem:s2] =	stream.indirect.scatter.add.f32 [tilespmem:s25], [sflag:$0x8], $0x80, s6, s22, $0xb8;
	[tilespmem:$0x1F700] =	vst v63  }
0x9d: {  	_ =	swait.ge [sflag:s0], $0x3C00  }
0x9e: {  	[sflag:s0] =	ssyncset.done $0x0  }
0x9f: {  	[sflag:s0] =	ssyncadd.s32 $0xFFFFC400  }
0xa0: {  	_ =	swait.ge [sflag:s9], $0x3C00  }
0xa1: {  	[sflag:s9] =	ssyncset.done $0x0  }
0xa2: {  	[sflag:s9] =	ssyncadd.s32 $0xFFFFC400  }
0xa3: {  	[spmem:s2] =	stream.indirect.scatter.add.f32 [tilespmem:s30], [sflag:$0x8], $0x80, s10, s22, $0xb8;
	[tilespmem:$0x1F700] =	vst v63  }
0xa4: {  	_ =	swait.ge [sflag:s0], $0x3C00  }
0xa5: {  	[sflag:s0] =	ssyncset.done $0x0  }
0xa6: {  	[sflag:s0] =	ssyncadd.s32 $0xFFFFC400  }
0xa7: {  	[bflag:$0x0] =	sbarrier.arrive $0xFFFF  }
0xa8: {  	s12 =	rddreg [dreg:$0x4]  }
0xa9: {  	s16 =	rddreg [dreg:$0x7];
	s12 =	sor.u32 $0x1C08, s12  }
0xaa: {  	[hbm:s16], [sflag:s12] =	dma.local [spmem:s14], $0x2800  }
0xab: {  	_ =	swait.ge [sflag:s0], $0x2800  }
0xac: {  	s11 =	sadd.s32 $0x1, s11;
	s16 =	rddreg [dreg:$0x8]  }
0xad: {  	p0 =	sne.s32 s11, s16  }
.Ltmp1:
0xae: {  	_ = 	snop;
	(pc) =	sbr.rel @p0 .LBB2_1-.Ltmp1, $3  }
0xaf: {  	_ =	sdelay $0x1  }
0xb0: {  	[sflag:s0] =	ssyncset.done $0x0  }
0xb1: {  	[sflag:s0] =	ssyncadd.s32 $0xFFFFD800  }
0xb2: {  	_ =	sfence.sel $0x180000  }
0xb3: {  	[bflag:$0x0] =	sbarrier.arrive $0xFFFF  }
0xb4: {  	_ =	strace $0x9000004A  }
0xb5: {  	s0 =	stileid.u32;
	[bflag:$0x2] =	sbarrier.arrive $0xFFFF  }
0xb6: {  	p0 =	sne.s32 s0, $0x0;
	s0 =	rddreg [dreg:$0x3]  }
0xb7: {  	s0 =	sadd.s32 @!p0 $0x100000, s0  }
0xb8: {  	[sflag:s0] =	ssyncadd.tile.s32 @!p0 $0x1;
	_ =	shalt  }
.Lfunc_end2:
_tile_overlayer_lowered:
.L_overlay_start_2:
0xb9: {  	(tag) =	ssettag $0x2  }
0xba: {  	s0 =	rddreg [dreg:$0x0];
	s2 =	stileid.u32  }
0xbb: {  	s1 =	rddreg [dreg:$0x1];
	p0 =	sne.s32 s2, $0x0  }
0xbc: {  	s3 =	rddreg [dreg:$0x2];
	[bflag:$0x3] =	sbarrier.arrive $0xFFFF;
	s2 =	simm.s32 @!p0 $0x1C08  }
0xbd: {  	[timem:s3], [sflag:s2] =	dma.local @!p0 [hbm:s0], s1  }
0xbe: {  	s0 =	simm.s32 @!p0 $0x8  }
0xbf: {  	_ =	swait.ge @!p0 [sflag:s0], s1  }
0xc0: {  	s1 =	ssub.s32 @!p0 $0x0, s1;
	[sflag:s0] =	ssyncset.done @!p0 $0x0  }
0xc1: {  	[sflag:s0] =	ssyncadd.s32 @!p0 s1  }
0xc2: {  	[bflag:$0x3] =	sbarrier.arrive $0xFFFF  }
0xc3: {  	_ =	shalt  }

// kernel: kernel.14.cloned.1.call-start
scs
__scs_entry_jumppad:
0x0: {  	(pc) =	sbr.rel $0x88, $3  }
0x1: {  	(tag) =	ssettag $0x0;
	lr =	simm.s32 $0x1  }
0x2: {  	[smem:$0x3F9B] =	sst lr;
	_ =	strace $0xD0000000  }
0x3: {  	_ = 	snop  }
0x4: {  	_ = 	snop  }
0x5: {  	_ = 	snop  }
0x6: {  	_ = 	snop  }
0x7: {  	_ = 	snop  }
__scs_overlays_trampoline_lowered:
0x8: {  	[smem:$0x3FAA] =	sst s0  }
0x9: {  	[smem:$0x3FAB] =	sst s1  }
0xa: {  	[smem:$0x3FAC] =	sst s2  }
0xb: {  	[smem:$0x3FAD] =	sst s3  }
0xc: {  	[smem:$0x3FAE] =	sst s4  }
0xd: {  	[smem:$0x3FAF] =	sst s5  }
0xe: {  	[smem:$0x3FB0] =	sst s6  }
0xf: {  	[smem:$0x3FB1] =	sst s7  }
0x10: {  	[smem:$0x3FB2] =	sst s8  }
0x11: {  	[smem:$0x3FB3] =	sst s9;
	s0 =	simm.s32 @!p0 $0x0  }
0x12: {  	s1 =	sld [smem:$0x3F99];
	s0 =	simm.s32 @p0 $0x1  }
0x13: {  	[smem:$0x3FB4] =	sst s0;
	s0 =	simm.s32 @!p1 $0x0  }
0x14: {  	s2 =	sld [smem:$0x3F98];
	s0 =	simm.s32 @p1 $0x1  }
0x15: {  	[smem:$0x3FB5] =	sst s0;
	s0 =	simm.s32 @!p2 $0x0  }
0x16: {  	s3 =	sld [smem:$0x3FDB];
	s0 =	simm.s32 @p2 $0x1  }
0x17: {  	s4 =	simm.s32 $0x1BF5;
	[smem:$0x3FB7] =	sst s0  }
0x18: {  	s0 =	sld [smem:$0x3F9A];
	_ =	swait.ge [sflag:s4], $0x0  }
0x19: {  	s7 =	sld [smem:$0x3F9B]  }
0x1a: {  	s8 =	sadd.s32 $0xFFFFE003, lr  }
0x1b: {  	s9 =	sadd.s32 $0xFFFFFEF7, lr;
	s5 =	simm.s32 $0xFFFFFFFF;
	p2 =	slt.u32 s8, $0xFFFFF086  }
0x1c: {  	p1 =	slt.u32 s9, $0xF7A;
	s5 =	simm.s32 @!p2 $0x0  }
0x1d: {  	s5 =	simm.s32 @p1 $0x1;
	p0 =	seq.s32 s7, s2  }
0x1e: {  	s7 =	smul.u32 @!p0 $0xF7A, s2;
	p2 =	seq.s32 @!p0 s5, $0x0  }
0x1f: {  	s9 =	smul.u32 $0xF7A, s1;
	s8 =	simm.s32 @!p0 $0x1BF5;
	p2 =	por !p2, p0  }
0x20: {  	[sflag:s8] =	ssyncset.s32 @!p0 $0xFFFFF086;
	s6 =	sadd.s32 @!p0 s3, s7;
	s7 =	simm.s32 @!p0 $0x108  }
0x21: {  	s3 =	sadd.s32 s3, s9;
	s6 =	sadd.s32 @!p0 $0x88, s6;
	s7 =	simm.s32 @p2 $0x1082  }
0x22: {  	[simem:s7], [sflag:s8] =	dma.local @!p0 [hbm:s6], $0xF7A  }
0x23: {  	s9 =	sor.u32 $0xD0000000, s2;
	s6 =	simm.s32 $0x108;
	_ =	swait.ge @!p0 [sflag:s8], $0x0  }
0x24: {  	s3 =	sadd.s32 $0x88, s3;
	s6 =	simm.s32 @!p1 $0x1082;
	[sflag:s4] =	ssyncset.s32 $0xFFFFF086  }
0x25: {  	[simem:s6], [sflag:s4] =	dma.local [hbm:s3], $0xF7A  }
0x26: {  	[smem:$0x3F9B] =	sst s1;
	(tag) =	ssettag s2;
	_ =	strace s9  }
0x27: {  	s1 =	sld [smem:$0x3FAB]  }
0x28: {  	s2 =	sld [smem:$0x3FAC]  }
0x29: {  	s4 =	sld [smem:$0x3FAE]  }
0x2a: {  	p0 =	seq.s32 s5, $0x0;
	s5 =	sld [smem:$0x3FAF]  }
0x2b: {  	s6 =	sld [smem:$0x3FB0]  }
0x2c: {  	s7 =	sld [smem:$0x3FB1]  }
0x2d: {  	s3 =	simm.s32 $0x108;
	s8 =	sld [smem:$0x3FB2]  }
0x2e: {  	s3 =	simm.s32 @!p0 $0x1082;
	s9 =	sld [smem:$0x3FB3]  }
0x2f: {  	lr =	sadd.s32 s0, s3;
	s0 =	sld [smem:$0x3FAA]  }
0x30: {  	s3 =	sld [smem:$0x3FAD]  }
0x31: {  	[smem:$0x3FB6] =	sst s10  }
0x32: {  	s10 =	sld [smem:$0x3FB4];
	_ =	sdelay $0x3  }
0x33: {  	p0 =	seq.s32 s10, $0x1;
	s10 =	sld [smem:$0x3FB6];
	_ =	sdelay $0x3  }
0x34: {  	[smem:$0x3FB6] =	sst s10  }
0x35: {  	s10 =	sld [smem:$0x3FB5];
	_ =	sdelay $0x3  }
0x36: {  	p1 =	seq.s32 s10, $0x1;
	s10 =	sld [smem:$0x3FB6];
	_ =	sdelay $0x3  }
0x37: {  	[smem:$0x3FB6] =	sst s10  }
0x38: {  	s10 =	sld [smem:$0x3FB7]  }
0x39: {  	_ = 	snop;
	(pc) =	sbr.ind lr, $3  }
0x3a: {  	_ = 	snop  }
0x3b: {  	_ = 	snop  }
0x3c: {  	p2 =	seq.s32 s10, $0x1;
	s10 =	sld [smem:$0x3FB6]  }
0x3d: {  	_ =	shalt  }
0x3e: {  	_ =	shalt  }
0x3f: {  	_ =	shalt  }
0x40: {  	_ =	shalt  }
0x41: {  	_ =	shalt  }
0x42: {  	_ =	shalt  }
0x43: {  	_ =	shalt  }
0x44: {  	_ =	shalt  }
0x45: {  	_ =	shalt  }
0x46: {  	_ =	shalt  }
0x47: {  	_ =	shalt  }
0x48: {  	_ =	shalt  }
0x49: {  	_ =	shalt  }
0x4a: {  	_ =	shalt  }
0x4b: {  	_ =	shalt  }
0x4c: {  	_ =	shalt  }
0x4d: {  	_ =	shalt  }
0x4e: {  	_ =	shalt  }
0x4f: {  	_ =	shalt  }
0x50: {  	_ =	shalt  }
0x51: {  	_ =	shalt  }
0x52: {  	_ =	shalt  }
0x53: {  	_ =	shalt  }
0x54: {  	_ =	shalt  }
0x55: {  	_ =	shalt  }
0x56: {  	_ =	shalt  }
0x57: {  	_ =	shalt  }
0x58: {  	_ =	shalt  }
0x59: {  	_ =	shalt  }
0x5a: {  	_ =	shalt  }
0x5b: {  	_ =	shalt  }
0x5c: {  	_ =	shalt  }
0x5d: {  	_ =	shalt  }
0x5e: {  	_ =	shalt  }
0x5f: {  	_ =	shalt  }
0x60: {  	_ =	shalt  }
0x61: {  	_ =	shalt  }
0x62: {  	_ =	shalt  }
0x63: {  	_ =	shalt  }
0x64: {  	_ =	shalt  }
0x65: {  	_ =	shalt  }
0x66: {  	_ =	shalt  }
0x67: {  	_ =	shalt  }
0x68: {  	_ =	shalt  }
0x69: {  	_ =	shalt  }
0x6a: {  	_ =	shalt  }
0x6b: {  	_ =	shalt  }
0x6c: {  	_ =	shalt  }
0x6d: {  	_ =	shalt  }
0x6e: {  	_ =	shalt  }
0x6f: {  	_ =	shalt  }
0x70: {  	_ =	shalt  }
0x71: {  	_ =	shalt  }
0x72: {  	_ =	shalt  }
0x73: {  	_ =	shalt  }
0x74: {  	_ =	shalt  }
0x75: {  	_ =	shalt  }
0x76: {  	_ =	shalt  }
0x77: {  	_ =	shalt  }
0x78: {  	_ =	shalt  }
0x79: {  	_ =	shalt  }
0x7a: {  	_ =	shalt  }
0x7b: {  	_ =	shalt  }
0x7c: {  	_ =	shalt  }
0x7d: {  	_ =	shalt  }
0x7e: {  	_ =	shalt  }
0x7f: {  	_ =	shalt  }
0x80: {  	_ =	shalt  }
0x81: {  	_ =	shalt  }
0x82: {  	_ =	shalt  }
0x83: {  	_ =	shalt  }
0x84: {  	_ =	shalt  }
0x85: {  	_ =	shalt  }
0x86: {  	_ =	shalt  }
0x87: {  	_ =	shalt  }
.Lfunc_end0:
.L_simem_size_0:
called_computation.2_lowered:
.L_overlay_start_0:
0x88: {  	s2 =	sld [smem:$0x3FD9]  }
0x89: {  	s3 =	sld [smem:$0x3FFE];
	_ =	sdelay $0x1  }
0x8a: {  	s1 =	srdreg.scid  }
0x8b: {  	s0 =	sand.u32 $0x1, s1  }
0x8c: {  	s17 =	sshll.u32 s0, $0xA;
	s2 =	sadd.s32 s3, s2  }
0x8d: {  	s2 =	sadd.s32 s2, s17  }
0x8e: {  	[smem:$0x3FC2] =	sst s2  }
0x8f: {  	_ = 	snop  }
0x90: {  	s2 =	sld [smem:$0x3FD0];
	(tm) =	ssettm $0x1  }
0x91: {  	s18 =	sld [smem:$0x3FFB];
	_ =	sdelay $0x3  }
0x92: {  	_ =	strace s18  }
0x93: {  	s3 =	sld [smem:$0x3FFC];
	_ =	sdelay $0x3  }
0x94: {  	_ =	strace s3  }
0x95: {  	s3 =	sld [smem:$0x3FFD];
	_ =	sdelay $0x3  }
0x96: {  	_ =	strace s3  }
0x97: {  	_ =	strace $0x8FFFFFFF  }
0x98: {  	s19 =	sld [smem:$0x3FDB];
	_ =	sdelay $0x1  }
0x99: {  	s4 =	simm.s32 $_scs_section_size  }
0x9a: {  	s5 =	simm.s32 $_size__tile_overlayer_lowered;
	s6 =	simm.s32 $_tile_overlayer_lowered  }
0x9b: {  	s22 =	simm.s32 $0x1BFF;
	s21 =	sshll.u32 s6, $0x1;
	s3 =	sadd.s32 s4, s19  }
0x9c: {  	s7 =	simm.s32 $0x0;
	s20 =	sshll.u32 s5, $0x1;
	s5 =	sadd.s32 s21, s3  }
0x9d: {  	[timem:s7], [sflag:s22] =	dma.local [hbm:s5], s20  }
0x9e: {  	_ =	swait.ge [sflag:s22], s20  }
0x9f: {  	s4 =	ssub.s32 $0x0, s20;
	[sflag:s22] =	ssyncset.done $0x0  }
0xa0: {  	[sflag:s22] =	ssyncadd.s32 s4;
	_ =	sdelay $0x1  }
0xa1: {  	s23 =	simm.s32 $0x1B8B  }
0xa2: {  	_ =	swait.ge [sflag:s23], $0x1  }
0xa3: {  	[sflag:s23] =	ssyncset.done $0x0  }
0xa4: {  	s25 =	simm.s32 $0x1B8E;
	s24 =	sld [smem:$0x3FFE];
	[sflag:s23] =	ssyncadd.s32 $0xFFFFFFFF  }
0xa5: {  	s26 =	simm.s32 $execute0_lowered;
	[smem:$0x3FD2] =	sst s25  }
0xa6: {  	s5 =	sshll.u32 s26, $0x1;
	_ =	strace $0x8000004C;
	[dreg:$0x1] =	wrdreg $0xFFFFFFFF  }
0xa7: {  	s28 =	simm.s32 $_size_execute0_lowered;
	s3 =	sadd.s32 s3, s5;
	[dreg:$0x0] =	wrdreg $0x0  }
0xa8: {  	s5 =	sshll.u32 s28, $0x1;
	[dreg:$0x2] =	wrdreg s3  }
0xa9: {  	[dreg:$0x3] =	wrdreg s5  }
0xaa: {  	[dreg:$0x4] =	wrdreg $0xC0  }
0xab: {  	_ =	task [dreg:s7], $0x5FFFF  }
0xac: {  	[dreg:$0x1] =	wrdreg $0xFFFFFFFF  }
0xad: {  	[dreg:$0x0] =	wrdreg $0x60  }
0xae: {  	[dreg:$0x2] =	wrdreg s2  }
0xaf: {  	[dreg:$0x3] =	wrdreg s24  }
0xb0: {  	[dreg:$0x4] =	wrdreg $0xB7000  }
0xb1: {  	[dreg:$0x5] =	wrdreg $0x9  }
0xb2: {  	_ =	task.clear_ibuf [dreg:s7], $0x6FFFF;
	_ =	strace $0x9000004C  }
0xb3: {  	s29 =	simm.s32 $0x9;
	_ =	strace $0x8000004E  }
0xb4: {  	_ =	swait.ge [sflag:s29], $0x1  }
0xb5: {  	[sflag:s29] =	ssyncadd.s32 $0xFFFFFFFF  }
0xb6: {  	_ =	strace $0x9000004E  }
0xb7: {  	_ =	sfence  }
0xb8: {  	s30 =	sld [smem:$0x0];
	_ =	sdelay $0x2  }
0xb9: {  	s31 =	sshll.u32 s1, $0xD;
	s1 =	sshrl.u32 s1, $0x2  }
0xba: {  	s3 =	sand.u32 $0x4000, s31;
	s1 =	sadd.s32 s1, s30  }
0xbb: {  	s0 =	sor.u32 s3, s0;
	s1 =	sshll.u32 s1, $0x11  }
0xbc: {  	s0 =	sor.u32 s1, s0  }
0xbd: {  	s0 =	sadd.s32 $0x8F2B, s0  }
0xbe: {  	[sflag:s0] =	ssyncadd.remote.s32 $0x1  }
0xbf: {  	_ =	sfence.sel $0xFFFF  }
0xc0: {  	[dreg:$0x0] =	wrdreg $0xFFFFFFFF;
	(pc) =	sbr.abs _section_cstart, $3  }
0xc1: {  	[dreg:$0x1] =	wrdreg $0xFFFFFFFF  }
0xc2: {  	_ =	task.clear_ibuf [dreg:s7], $0x2FFFF;
	_ =	strace $0x9FFFFFFF  }
0xc3: {  	(tm) =	ssettm $0x7FFFFFFF  }
tec
execute0_lowered:
.L_overlay_start_1:
0x0: {  	(tag) =	ssettag $0x1  }
0x1: {  	s1 =	rddreg [dreg:$0x0]  }
0x2: {  	s0 =	rddreg [dreg:$0x1]  }
0x3: {  	s2 =	rddreg [dreg:$0x2];
	s3 =	srdreg.scid  }
0x4: {  	s4 =	simm.s32 $0x0;
	s13 =	stileid.u32;
	s28 =	simm.s32 $0x1  }
0x5: {  	s29 =	simm.s32 $0x6;
	s30 =	simm.s32 $0x7B00;
	s31 =	simm.s32 $0x80  }
0x6: {  	s3 =	sand.u32 $0x1, s3;
	[smem:$0x7FF] =	sst s4;
	s7 =	smul.u32 $0x14000, s13  }
0x7: {  	s9 =	sadd.s32 $0x2800, s0;
	s5 =	sadd.s32 $0x17800, s0;
	s10 =	smul.u32 $0x50000, s13  }
0x8: {  	s11 =	sshll.u32 s13, $0x6;
	s6 =	smul.u32 $0x140000, s3;
	_ =	strace $0x8000004D  }
0x9: {  	s16 =	ssub.s32 $0x2, s3;
	s18 =	sshll.u32 s3, $0x4;
	[dreg:$0x4] =	wrdreg s11  }
0xa: {  	s3 =	smul.u32 $0xA800, s3;
	s8 =	sshrl.u32 s16, $0x1;
	s19 =	sor.u32 s13, s18  }
0xb: {  	s20 =	sshrl.u32 s10, $0x2;
	s13 =	smul.u32 $0xA80, s13;
	s6 =	sadd.s32 s7, s6  }
0xc: {  	s17 =	ssub.s32 s16, s8;
	s10 =	sadd.s32 s20, s2;
	s7 =	sor.u32 $0x1C07, s11  }
0xd: {  	s8 =	smul.u32 $0xA80, s19;
	s24 =	sadd.s32 s3, s9;
	s19 =	simm.s32 $0x100  }
0xe: {  	s20 =	simm.s32 $0x200;
	s3 =	simm.s32 $0x2;
	s11 =	simm.s32 $0x0  }
0xf: {  	s6 =	sshrl.u32 s6, $0x3;
	s21 =	sadd.s32 $0x4000, s10;
	s12 =	sadd.s32 $0x8000, s10  }
0x10: {  	s15 =	sadd.s32 $0xC000, s10;
	s18 =	sadd.s32 $0x10000, s10;
	s23 =	smax.u32 s17, $0x1  }
0x11: {  	s13 =	sadd.s32 s13, s24;
	s24 =	simm.s32 $0x5;
	s0 =	sadd.s32 s6, s0  }
0x12: {  	s8 =	sadd.s32 s9, s8;
	[dreg:$0x8] =	wrdreg s23;
	s25 =	sshrl.u32 s21, $0x3  }
0x13: {  	s26 =	sshrl.u32 s12, $0x3;
	s17 =	sshrl.u32 s15, $0x3;
	s18 =	sshrl.u32 s18, $0x3  }
0x14: {  	s21 =	simm.s32 $0x4;
	s23 =	simm.s32 $0x300;
	[dreg:$0x9] =	wrdreg s25  }
0x15: {  	s6 =	simm.s32 $0x180;
	s14 =	sadd.s32 $0x20, s8;
	[dreg:$0xa] =	wrdreg s26  }
0x16: {  	s9 =	simm.s32 $0x3;
	s22 =	sadd.s32 $0x40, s8;
	[dreg:$0x5] =	wrdreg s14  }
0x17: {  	s0 =	sadd.s32 $0x18000, s0;
	s25 =	simm.s32 $0x3F00;
	[dreg:$0x6] =	wrdreg s22  }
0x18: {  	s26 =	simm.s32 $0x7;
	[dreg:$0x7] =	wrdreg s0;
	s14 =	sshrl.u32 s10, $0x3  }
0x19: {  	s22 =	simm.s32 $0x78;
	s0 =	simm.s32 $0x8;
	s10 =	simm.s32 $0x280  }
.LBB2_1:
0x1a: {  	[spmem:s14], [sflag:s7] =	dma.local [hbm:s5], $0x800  }
0x1b: {  	s12 =	rddreg [dreg:$0x9]  }
0x1c: {  	[spmem:s12], [sflag:s7] =	dma.local [hbm:s5], $0x800  }
0x1d: {  	s12 =	rddreg [dreg:$0xa]  }
0x1e: {  	[spmem:s12], [sflag:s7] =	dma.local [hbm:s5], $0x800  }
0x1f: {  	[spmem:s17], [sflag:s7] =	dma.local [hbm:s5], $0x800  }
0x20: {  	[spmem:s18], [sflag:s7] =	dma.local [hbm:s5], $0x800  }
0x21: {  	[tilespmem:s4], [sflag:$0x4] =	stream.linear.gather [hbm4b:s8+s4], $0x100, $0x38;
	[tilespmem:$0x1F700] =	vst v63  }
0x22: {  	s16 =	rddreg [dreg:$0x5]  }
0x23: {  	[tilespmem:s19], [sflag:$0x5] =	stream.linear.gather [hbm4b:s16+s4], $0x100, $0x38;
	[tilespmem:$0x1F700] =	vst v63  }
0x24: {  	s15 =	rddreg [dreg:$0x6]  }
0x25: {  	[tilespmem:s20], [sflag:$0x6] =	stream.linear.gather [hbm4b:s15+s4], $0x100, $0x38;
	[tilespmem:$0x1F700] =	vst v63  }
0x26: {  	_ =	swait.ge [sflag:s21], $0x100  }
0x27: {  	[sflag:s21] =	ssyncset.done $0x0  }
0x28: {  	[sflag:s21] =	ssyncadd.s32 $0xFFFFFF00  }
0x29: {  	[tilespmem:s23], [sflag:$0x1] =	stream.indirect.gather [hbm4b:s1+s22], $0x80, s4, s22, $0xb8;
	[tilespmem:$0x1F700] =	vst v63  }
0x2a: {  	_ =	swait.ge [sflag:s24], $0x100  }
0x2b: {  	[sflag:s24] =	ssyncset.done $0x0  }
0x2c: {  	[sflag:s24] =	ssyncadd.s32 $0xFFFFFF00  }
0x2d: {  	[tilespmem:s25], [sflag:$0x2] =	stream.indirect.gather [hbm4b:s1+s22], $0x80, s19, s22, $0xb8;
	[tilespmem:$0x1F700] =	vst v63  }
0x2e: {  	_ =	swait.ge [sflag:s26], $0x800  }
0x2f: {  	[sflag:s26] =	ssyncset.done $0x0  }
0x30: {  	[sflag:s26] =	ssyncadd.s32 $0xFFFFF800  }
0x31: {  	_ =	swait.ge [sflag:s26], $0x800  }
0x32: {  	[sflag:s26] =	ssyncset.done $0x0  }
0x33: {  	[sflag:s26] =	ssyncadd.s32 $0xFFFFF800  }
0x34: {  	_ =	swait.ge [sflag:s26], $0x800  }
0x35: {  	[sflag:s26] =	ssyncset.done $0x0  }
0x36: {  	[sflag:s26] =	ssyncadd.s32 $0xFFFFF800  }
0x37: {  	_ =	swait.ge [sflag:s26], $0x800  }
0x38: {  	[sflag:s26] =	ssyncset.done $0x0  }
0x39: {  	[sflag:s26] =	ssyncadd.s32 $0xFFFFF800  }
0x3a: {  	_ =	swait.ge [sflag:s26], $0x800  }
0x3b: {  	[sflag:s26] =	ssyncset.done $0x0  }
0x3c: {  	[sflag:s26] =	ssyncadd.s32 $0xFFFFF800  }
0x3d: {  	[bflag:$0x0] =	sbarrier.arrive $0xFFFF  }
0x3e: {  	_ =	swait.ge [sflag:s28], $0x3C00  }
0x3f: {  	[sflag:s28] =	ssyncset.done $0x0  }
0x40: {  	[sflag:s28] =	ssyncadd.s32 $0xFFFFC400  }
0x41: {  	_ =	swait.ge [sflag:s29], $0x100  }
0x42: {  	[sflag:s29] =	ssyncset.done $0x0  }
0x43: {  	[sflag:s29] =	ssyncadd.s32 $0xFFFFFF00  }
0x44: {  	[tilespmem:s30], [sflag:$0x3] =	stream.indirect.gather [hbm4b:s1+s22], $0x80, s20, s22, $0xb8;
	[tilespmem:$0x1F700] =	vst v63  }
0x45: {  	_ = 	snop  }
0x46: {  	[spmem:s2] =	stream.indirect.scatter.add.f32 [tilespmem:s23], [sflag:$0x8], $0x80, s31, s22, $0xb8;
	[tilespmem:$0x1F700] =	vst v63  }
0x47: {  	_ =	swait.ge [sflag:s0], $0x3C00  }
0x48: {  	s15 =	sadd.s32 $0xFFFFF5E0, s13;
	[sflag:s0] =	ssyncset.done $0x0  }
0x49: {  	s16 =	sadd.s32 $0xA80, s15;
	[sflag:s0] =	ssyncadd.s32 $0xFFFFC400  }
0x4a: {  	[tilespmem:s4], [sflag:$0x4] =	stream.linear.gather [hbm4b:s16+s4], $0x100, $0x38;
	[tilespmem:$0x1F700] =	vst v63  }
0x4b: {  	_ =	swait.ge [sflag:s3], $0x3C00  }
0x4c: {  	[sflag:s3] =	ssyncset.done $0x0  }
0x4d: {  	[sflag:s3] =	ssyncadd.s32 $0xFFFFC400  }
0x4e: {  	_ =	swait.ge [sflag:s21], $0x100  }
0x4f: {  	[sflag:s21] =	ssyncset.done $0x0  }
0x50: {  	[sflag:s21] =	ssyncadd.s32 $0xFFFFFF00  }
0x51: {  	[tilespmem:s23], [sflag:$0x1] =	stream.indirect.gather [hbm4b:s1+s22], $0x80, s4, s22, $0xb8;
	[tilespmem:$0x1F700] =	vst v63  }
0x52: {  	_ = 	snop  }
0x53: {  	[spmem:s2] =	stream.indirect.scatter.add.f32 [tilespmem:s25], [sflag:$0x8], $0x80, s6, s22, $0xb8;
	[tilespmem:$0x1F700] =	vst v63  }
0x54: {  	_ =	swait.ge [sflag:s0], $0x3C00  }
0x55: {  	[sflag:s0] =	ssyncset.done $0x0  }
0x56: {  	s16 =	sadd.s32 $0xAA0, s15;
	[sflag:s0] =	ssyncadd.s32 $0xFFFFC400  }
0x57: {  	[tilespmem:s19], [sflag:$0x5] =	stream.linear.gather [hbm4b:s16+s4], $0x100, $0x38;
	[tilespmem:$0x1F700] =	vst v63  }
0x58: {  	_ =	swait.ge [sflag:s9], $0x3C00  }
0x59: {  	[sflag:s9] =	ssyncset.done $0x0  }
0x5a: {  	[sflag:s9] =	ssyncadd.s32 $0xFFFFC400  }
0x5b: {  	_ =	swait.ge [sflag:s24], $0x100  }
0x5c: {  	[sflag:s24] =	ssyncset.done $0x0  }
0x5d: {  	[sflag:s24] =	ssyncadd.s32 $0xFFFFFF00  }
0x5e: {  	[tilespmem:s25], [sflag:$0x2] =	stream.indirect.gather [hbm4b:s1+s22], $0x80, s19, s22, $0xb8;
	[tilespmem:$0x1F700] =	vst v63  }
0x5f: {  	_ = 	snop  }
0x60: {  	[spmem:s2] =	stream.indirect.scatter.add.f32 [tilespmem:s30], [sflag:$0x8], $0x80, s10, s22, $0xb8;
	[tilespmem:$0x1F700] =	vst v63  }
0x61: {  	_ =	swait.ge [sflag:s0], $0x3C00  }
0x62: {  	[sflag:s0] =	ssyncset.done $0x0  }
0x63: {  	s12 =	simm.s32 $0xFFFFF640;
	s15 =	sadd.s32 $0xAC0, s15;
	[sflag:s0] =	ssyncadd.s32 $0xFFFFC400  }
.LBB2_2:
0x64: {  	[tilespmem:s20], [sflag:$0x6] =	stream.linear.gather [hbm4b:s15+s4], $0x100, $0x38;
	[tilespmem:$0x1F700] =	vst v63  }
0x65: {  	s15 =	smov.u32 s12  }
0x66: {  	p0 =	sne.s32 s12, $0xFFFFFFA0;
	s12 =	sadd.s32 $0x60, s12;
	_ =	swait.ge [sflag:s28], $0x3C00  }
0x67: {  	[sflag:s28] =	ssyncset.done $0x0  }
0x68: {  	[sflag:s28] =	ssyncadd.s32 $0xFFFFC400  }
0x69: {  	_ =	swait.ge [sflag:s29], $0x100  }
0x6a: {  	[sflag:s29] =	ssyncset.done $0x0  }
0x6b: {  	[sflag:s29] =	ssyncadd.s32 $0xFFFFFF00  }
0x6c: {  	[tilespmem:s30], [sflag:$0x3] =	stream.indirect.gather [hbm4b:s1+s22], $0x80, s20, s22, $0xb8;
	[tilespmem:$0x1F700] =	vst v63  }
0x6d: {  	_ = 	snop  }
0x6e: {  	[spmem:s2] =	stream.indirect.scatter.add.f32 [tilespmem:s23], [sflag:$0x8], $0x80, s31, s22, $0xb8;
	[tilespmem:$0x1F700] =	vst v63  }
0x6f: {  	_ =	swait.ge [sflag:s0], $0x3C00  }
0x70: {  	s15 =	sadd.s32 s15, s13;
	[sflag:s0] =	ssyncset.done $0x0  }
0x71: {  	s16 =	sadd.s32 $0xA80, s15;
	[sflag:s0] =	ssyncadd.s32 $0xFFFFC400  }
0x72: {  	[tilespmem:s4], [sflag:$0x4] =	stream.linear.gather [hbm4b:s16+s4], $0x100, $0x38;
	[tilespmem:$0x1F700] =	vst v63  }
0x73: {  	_ =	swait.ge [sflag:s3], $0x3C00  }
0x74: {  	[sflag:s3] =	ssyncset.done $0x0  }
0x75: {  	[sflag:s3] =	ssyncadd.s32 $0xFFFFC400  }
0x76: {  	_ =	swait.ge [sflag:s21], $0x100  }
0x77: {  	[sflag:s21] =	ssyncset.done $0x0  }
0x78: {  	[sflag:s21] =	ssyncadd.s32 $0xFFFFFF00  }
0x79: {  	[tilespmem:s23], [sflag:$0x1] =	stream.indirect.gather [hbm4b:s1+s22], $0x80, s4, s22, $0xb8;
	[tilespmem:$0x1F700] =	vst v63  }
0x7a: {  	_ = 	snop  }
0x7b: {  	[spmem:s2] =	stream.indirect.scatter.add.f32 [tilespmem:s25], [sflag:$0x8], $0x80, s6, s22, $0xb8;
	[tilespmem:$0x1F700] =	vst v63  }
0x7c: {  	_ =	swait.ge [sflag:s0], $0x3C00  }
0x7d: {  	[sflag:s0] =	ssyncset.done $0x0  }
0x7e: {  	s16 =	sadd.s32 $0xAA0, s15;
	[sflag:s0] =	ssyncadd.s32 $0xFFFFC400  }
0x7f: {  	[tilespmem:s19], [sflag:$0x5] =	stream.linear.gather [hbm4b:s16+s4], $0x100, $0x38;
	[tilespmem:$0x1F700] =	vst v63  }
0x80: {  	_ =	swait.ge [sflag:s9], $0x3C00  }
0x81: {  	[sflag:s9] =	ssyncset.done $0x0  }
0x82: {  	[sflag:s9] =	ssyncadd.s32 $0xFFFFC400  }
0x83: {  	_ =	swait.ge [sflag:s24], $0x100  }
0x84: {  	[sflag:s24] =	ssyncset.done $0x0  }
0x85: {  	[sflag:s24] =	ssyncadd.s32 $0xFFFFFF00  }
0x86: {  	[tilespmem:s25], [sflag:$0x2] =	stream.indirect.gather [hbm4b:s1+s22], $0x80, s19, s22, $0xb8;
	[tilespmem:$0x1F700] =	vst v63  }
.Ltmp0:
0x87: {  	(pc) =	sbr.rel @p0 .LBB2_2-.Ltmp0, $4  }
0x88: {  	[spmem:s2] =	stream.indirect.scatter.add.f32 [tilespmem:s30], [sflag:$0x8], $0x80, s10, s22, $0xb8;
	[tilespmem:$0x1F700] =	vst v63  }
0x89: {  	_ =	swait.ge [sflag:s0], $0x3C00  }
0x8a: {  	[sflag:s0] =	ssyncset.done $0x0  }
0x8b: {  	s15 =	sadd.s32 $0xAC0, s15;
	[sflag:s0] =	ssyncadd.s32 $0xFFFFC400  }
0x8c: {  	[tilespmem:s20], [sflag:$0x6] =	stream.linear.gather [hbm4b:s15+s4], $0x100, $0x38;
	[tilespmem:$0x1F700] =	vst v63  }
0x8d: {  	_ =	swait.ge [sflag:s28], $0x3C00  }
0x8e: {  	[sflag:s28] =	ssyncset.done $0x0  }
0x8f: {  	[sflag:s28] =	ssyncadd.s32 $0xFFFFC400  }
0x90: {  	_ =	swait.ge [sflag:s29], $0x100  }
0x91: {  	[sflag:s29] =	ssyncset.done $0x0  }
0x92: {  	[sflag:s29] =	ssyncadd.s32 $0xFFFFFF00  }
0x93: {  	[tilespmem:s30], [sflag:$0x3] =	stream.indirect.gather [hbm4b:s1+s22], $0x80, s20, s22, $0xb8;
	[tilespmem:$0x1F700] =	vst v63  }
0x94: {  	_ = 	snop  }
0x95: {  	[spmem:s2] =	stream.indirect.scatter.add.f32 [tilespmem:s23], [sflag:$0x8], $0x80, s31, s22, $0xb8;
	[tilespmem:$0x1F700] =	vst v63  }
0x96: {  	_ =	swait.ge [sflag:s0], $0x3C00  }
0x97: {  	[sflag:s0] =	ssyncset.done $0x0  }
0x98: {  	[sflag:s0] =	ssyncadd.s32 $0xFFFFC400  }
0x99: {  	_ =	swait.ge [sflag:s3], $0x3C00  }
0x9a: {  	[sflag:s3] =	ssyncset.done $0x0  }
0x9b: {  	[sflag:s3] =	ssyncadd.s32 $0xFFFFC400  }
0x9c: {  	[spmem:s2] =	stream.indirect.scatter.add.f32 [tilespmem:s25], [sflag:$0x8], $0x80, s6, s22, $0xb8;
	[tilespmem:$0x1F700] =	vst v63  }
0x9d: {  	_ =	swait.ge [sflag:s0], $0x3C00  }
0x9e: {  	[sflag:s0] =	ssyncset.done $0x0  }
0x9f: {  	[sflag:s0] =	ssyncadd.s32 $0xFFFFC400  }
0xa0: {  	_ =	swait.ge [sflag:s9], $0x3C00  }
0xa1: {  	[sflag:s9] =	ssyncset.done $0x0  }
0xa2: {  	[sflag:s9] =	ssyncadd.s32 $0xFFFFC400  }
0xa3: {  	[spmem:s2] =	stream.indirect.scatter.add.f32 [tilespmem:s30], [sflag:$0x8], $0x80, s10, s22, $0xb8;
	[tilespmem:$0x1F700] =	vst v63  }
0xa4: {  	_ =	swait.ge [sflag:s0], $0x3C00  }
0xa5: {  	[sflag:s0] =	ssyncset.done $0x0  }
0xa6: {  	[sflag:s0] =	ssyncadd.s32 $0xFFFFC400  }
0xa7: {  	[bflag:$0x0] =	sbarrier.arrive $0xFFFF  }
0xa8: {  	s12 =	rddreg [dreg:$0x4]  }
0xa9: {  	s16 =	rddreg [dreg:$0x7];
	s12 =	sor.u32 $0x1C08, s12  }
0xaa: {  	[hbm:s16], [sflag:s12] =	dma.local [spmem:s14], $0x2800  }
0xab: {  	_ =	swait.ge [sflag:s0], $0x2800  }
0xac: {  	s11 =	sadd.s32 $0x1, s11;
	s16 =	rddreg [dreg:$0x8]  }
0xad: {  	p0 =	sne.s32 s11, s16  }
.Ltmp1:
0xae: {  	_ = 	snop;
	(pc) =	sbr.rel @p0 .LBB2_1-.Ltmp1, $3  }
0xaf: {  	_ =	sdelay $0x1  }
0xb0: {  	[sflag:s0] =	ssyncset.done $0x0  }
0xb1: {  	[sflag:s0] =	ssyncadd.s32 $0xFFFFD800  }
0xb2: {  	_ =	sfence.sel $0x180000  }
0xb3: {  	[bflag:$0x0] =	sbarrier.arrive $0xFFFF  }
0xb4: {  	_ =	strace $0x9000004D  }
0xb5: {  	s0 =	stileid.u32;
	[bflag:$0x2] =	sbarrier.arrive $0xFFFF  }
0xb6: {  	p0 =	sne.s32 s0, $0x0;
	s0 =	rddreg [dreg:$0x3]  }
0xb7: {  	s0 =	sadd.s32 @!p0 $0x100000, s0  }
0xb8: {  	[sflag:s0] =	ssyncadd.tile.s32 @!p0 $0x1;
	_ =	shalt  }
.Lfunc_end2:
_tile_overlayer_lowered:
.L_overlay_start_2:
0xb9: {  	(tag) =	ssettag $0x2  }
0xba: {  	s0 =	rddreg [dreg:$0x0];
	s2 =	stileid.u32  }
0xbb: {  	s1 =	rddreg [dreg:$0x1];
	p0 =	sne.s32 s2, $0x0  }
0xbc: {  	s3 =	rddreg [dreg:$0x2];
	[bflag:$0x3] =	sbarrier.arrive $0xFFFF;
	s2 =	simm.s32 @!p0 $0x1C08  }
0xbd: {  	[timem:s3], [sflag:s2] =	dma.local @!p0 [hbm:s0], s1  }
0xbe: {  	s0 =	simm.s32 @!p0 $0x8  }
0xbf: {  	_ =	swait.ge @!p0 [sflag:s0], s1  }
0xc0: {  	s1 =	ssub.s32 @!p0 $0x0, s1;
	[sflag:s0] =	ssyncset.done @!p0 $0x0  }
0xc1: {  	[sflag:s0] =	ssyncadd.s32 @!p0 s1  }
0xc2: {  	[bflag:$0x3] =	sbarrier.arrive $0xFFFF  }
0xc3: {  	_ =	shalt  }

// kernel: kernel.8.cloned.1.call-start
scs
__scs_entry_jumppad:
0x0: {  	(pc) =	sbr.rel $0x88, $3  }
0x1: {  	(tag) =	ssettag $0x0;
	lr =	simm.s32 $0x1  }
0x2: {  	[smem:$0x3F9B] =	sst lr;
	_ =	strace $0xD0000000  }
0x3: {  	_ = 	snop  }
0x4: {  	_ = 	snop  }
0x5: {  	_ = 	snop  }
0x6: {  	_ = 	snop  }
0x7: {  	_ = 	snop  }
__scs_overlays_trampoline_lowered:
0x8: {  	[smem:$0x3FAA] =	sst s0  }
0x9: {  	[smem:$0x3FAB] =	sst s1  }
0xa: {  	[smem:$0x3FAC] =	sst s2  }
0xb: {  	[smem:$0x3FAD] =	sst s3  }
0xc: {  	[smem:$0x3FAE] =	sst s4  }
0xd: {  	[smem:$0x3FAF] =	sst s5  }
0xe: {  	[smem:$0x3FB0] =	sst s6  }
0xf: {  	[smem:$0x3FB1] =	sst s7  }
0x10: {  	[smem:$0x3FB2] =	sst s8  }
0x11: {  	[smem:$0x3FB3] =	sst s9;
	s0 =	simm.s32 @!p0 $0x0  }
0x12: {  	s1 =	sld [smem:$0x3F99];
	s0 =	simm.s32 @p0 $0x1  }
0x13: {  	[smem:$0x3FB4] =	sst s0;
	s0 =	simm.s32 @!p1 $0x0  }
0x14: {  	s2 =	sld [smem:$0x3F98];
	s0 =	simm.s32 @p1 $0x1  }
0x15: {  	[smem:$0x3FB5] =	sst s0;
	s0 =	simm.s32 @!p2 $0x0  }
0x16: {  	s3 =	sld [smem:$0x3FDB];
	s0 =	simm.s32 @p2 $0x1  }
0x17: {  	s4 =	simm.s32 $0x1BF5;
	[smem:$0x3FB7] =	sst s0  }
0x18: {  	s0 =	sld [smem:$0x3F9A];
	_ =	swait.ge [sflag:s4], $0x0  }
0x19: {  	s7 =	sld [smem:$0x3F9B]  }
0x1a: {  	s8 =	sadd.s32 $0xFFFFE003, lr  }
0x1b: {  	s9 =	sadd.s32 $0xFFFFFEF7, lr;
	s5 =	simm.s32 $0xFFFFFFFF;
	p2 =	slt.u32 s8, $0xFFFFF086  }
0x1c: {  	p1 =	slt.u32 s9, $0xF7A;
	s5 =	simm.s32 @!p2 $0x0  }
0x1d: {  	s5 =	simm.s32 @p1 $0x1;
	p0 =	seq.s32 s7, s2  }
0x1e: {  	s7 =	smul.u32 @!p0 $0xF7A, s2;
	p2 =	seq.s32 @!p0 s5, $0x0  }
0x1f: {  	s9 =	smul.u32 $0xF7A, s1;
	s8 =	simm.s32 @!p0 $0x1BF5;
	p2 =	por !p2, p0  }
0x20: {  	[sflag:s8] =	ssyncset.s32 @!p0 $0xFFFFF086;
	s6 =	sadd.s32 @!p0 s3, s7;
	s7 =	simm.s32 @!p0 $0x108  }
0x21: {  	s3 =	sadd.s32 s3, s9;
	s6 =	sadd.s32 @!p0 $0x88, s6;
	s7 =	simm.s32 @p2 $0x1082  }
0x22: {  	[simem:s7], [sflag:s8] =	dma.local @!p0 [hbm:s6], $0xF7A  }
0x23: {  	s9 =	sor.u32 $0xD0000000, s2;
	s6 =	simm.s32 $0x108;
	_ =	swait.ge @!p0 [sflag:s8], $0x0  }
0x24: {  	s3 =	sadd.s32 $0x88, s3;
	s6 =	simm.s32 @!p1 $0x1082;
	[sflag:s4] =	ssyncset.s32 $0xFFFFF086  }
0x25: {  	[simem:s6], [sflag:s4] =	dma.local [hbm:s3], $0xF7A  }
0x26: {  	[smem:$0x3F9B] =	sst s1;
	(tag) =	ssettag s2;
	_ =	strace s9  }
0x27: {  	s1 =	sld [smem:$0x3FAB]  }
0x28: {  	s2 =	sld [smem:$0x3FAC]  }
0x29: {  	s4 =	sld [smem:$0x3FAE]  }
0x2a: {  	p0 =	seq.s32 s5, $0x0;
	s5 =	sld [smem:$0x3FAF]  }
0x2b: {  	s6 =	sld [smem:$0x3FB0]  }
0x2c: {  	s7 =	sld [smem:$0x3FB1]  }
0x2d: {  	s3 =	simm.s32 $0x108;
	s8 =	sld [smem:$0x3FB2]  }
0x2e: {  	s3 =	simm.s32 @!p0 $0x1082;
	s9 =	sld [smem:$0x3FB3]  }
0x2f: {  	lr =	sadd.s32 s0, s3;
	s0 =	sld [smem:$0x3FAA]  }
0x30: {  	s3 =	sld [smem:$0x3FAD]  }
0x31: {  	[smem:$0x3FB6] =	sst s10  }
0x32: {  	s10 =	sld [smem:$0x3FB4];
	_ =	sdelay $0x3  }
0x33: {  	p0 =	seq.s32 s10, $0x1;
	s10 =	sld [smem:$0x3FB6];
	_ =	sdelay $0x3  }
0x34: {  	[smem:$0x3FB6] =	sst s10  }
0x35: {  	s10 =	sld [smem:$0x3FB5];
	_ =	sdelay $0x3  }
0x36: {  	p1 =	seq.s32 s10, $0x1;
	s10 =	sld [smem:$0x3FB6];
	_ =	sdelay $0x3  }
0x37: {  	[smem:$0x3FB6] =	sst s10  }
0x38: {  	s10 =	sld [smem:$0x3FB7]  }
0x39: {  	_ = 	snop;
	(pc) =	sbr.ind lr, $3  }
0x3a: {  	_ = 	snop  }
0x3b: {  	_ = 	snop  }
0x3c: {  	p2 =	seq.s32 s10, $0x1;
	s10 =	sld [smem:$0x3FB6]  }
0x3d: {  	_ =	shalt  }
0x3e: {  	_ =	shalt  }
0x3f: {  	_ =	shalt  }
0x40: {  	_ =	shalt  }
0x41: {  	_ =	shalt  }
0x42: {  	_ =	shalt  }
0x43: {  	_ =	shalt  }
0x44: {  	_ =	shalt  }
0x45: {  	_ =	shalt  }
0x46: {  	_ =	shalt  }
0x47: {  	_ =	shalt  }
0x48: {  	_ =	shalt  }
0x49: {  	_ =	shalt  }
0x4a: {  	_ =	shalt  }
0x4b: {  	_ =	shalt  }
0x4c: {  	_ =	shalt  }
0x4d: {  	_ =	shalt  }
0x4e: {  	_ =	shalt  }
0x4f: {  	_ =	shalt  }
0x50: {  	_ =	shalt  }
0x51: {  	_ =	shalt  }
0x52: {  	_ =	shalt  }
0x53: {  	_ =	shalt  }
0x54: {  	_ =	shalt  }
0x55: {  	_ =	shalt  }
0x56: {  	_ =	shalt  }
0x57: {  	_ =	shalt  }
0x58: {  	_ =	shalt  }
0x59: {  	_ =	shalt  }
0x5a: {  	_ =	shalt  }
0x5b: {  	_ =	shalt  }
0x5c: {  	_ =	shalt  }
0x5d: {  	_ =	shalt  }
0x5e: {  	_ =	shalt  }
0x5f: {  	_ =	shalt  }
0x60: {  	_ =	shalt  }
0x61: {  	_ =	shalt  }
0x62: {  	_ =	shalt  }
0x63: {  	_ =	shalt  }
0x64: {  	_ =	shalt  }
0x65: {  	_ =	shalt  }
0x66: {  	_ =	shalt  }
0x67: {  	_ =	shalt  }
0x68: {  	_ =	shalt  }
0x69: {  	_ =	shalt  }
0x6a: {  	_ =	shalt  }
0x6b: {  	_ =	shalt  }
0x6c: {  	_ =	shalt  }
0x6d: {  	_ =	shalt  }
0x6e: {  	_ =	shalt  }
0x6f: {  	_ =	shalt  }
0x70: {  	_ =	shalt  }
0x71: {  	_ =	shalt  }
0x72: {  	_ =	shalt  }
0x73: {  	_ =	shalt  }
0x74: {  	_ =	shalt  }
0x75: {  	_ =	shalt  }
0x76: {  	_ =	shalt  }
0x77: {  	_ =	shalt  }
0x78: {  	_ =	shalt  }
0x79: {  	_ =	shalt  }
0x7a: {  	_ =	shalt  }
0x7b: {  	_ =	shalt  }
0x7c: {  	_ =	shalt  }
0x7d: {  	_ =	shalt  }
0x7e: {  	_ =	shalt  }
0x7f: {  	_ =	shalt  }
0x80: {  	_ =	shalt  }
0x81: {  	_ =	shalt  }
0x82: {  	_ =	shalt  }
0x83: {  	_ =	shalt  }
0x84: {  	_ =	shalt  }
0x85: {  	_ =	shalt  }
0x86: {  	_ =	shalt  }
0x87: {  	_ =	shalt  }
.Lfunc_end0:
.L_simem_size_0:
called_computation_lowered:
.L_overlay_start_0:
0x88: {  	s2 =	sld [smem:$0x3FD9]  }
0x89: {  	s3 =	sld [smem:$0x3FFE];
	_ =	sdelay $0x1  }
0x8a: {  	s1 =	srdreg.scid  }
0x8b: {  	s0 =	sand.u32 $0x1, s1  }
0x8c: {  	s17 =	sshll.u32 s0, $0xA;
	s2 =	sadd.s32 s3, s2  }
0x8d: {  	s2 =	sadd.s32 s2, s17  }
0x8e: {  	[smem:$0x3FC2] =	sst s2  }
0x8f: {  	_ = 	snop  }
0x90: {  	s2 =	sld [smem:$0x3FD0];
	(tm) =	ssettm $0x1  }
0x91: {  	s18 =	sld [smem:$0x3FFB];
	_ =	sdelay $0x3  }
0x92: {  	_ =	strace s18  }
0x93: {  	s3 =	sld [smem:$0x3FFC];
	_ =	sdelay $0x3  }
0x94: {  	_ =	strace s3  }
0x95: {  	s3 =	sld [smem:$0x3FFD];
	_ =	sdelay $0x3  }
0x96: {  	_ =	strace s3  }
0x97: {  	_ =	strace $0x8FFFFFFF  }
0x98: {  	s19 =	sld [smem:$0x3FDB];
	_ =	sdelay $0x1  }
0x99: {  	s4 =	simm.s32 $_scs_section_size  }
0x9a: {  	s5 =	simm.s32 $_size__tile_overlayer_lowered;
	s6 =	simm.s32 $_tile_overlayer_lowered  }
0x9b: {  	s22 =	simm.s32 $0x1BFF;
	s21 =	sshll.u32 s6, $0x1;
	s3 =	sadd.s32 s4, s19  }
0x9c: {  	s7 =	simm.s32 $0x0;
	s20 =	sshll.u32 s5, $0x1;
	s5 =	sadd.s32 s21, s3  }
0x9d: {  	[timem:s7], [sflag:s22] =	dma.local [hbm:s5], s20  }
0x9e: {  	_ =	swait.ge [sflag:s22], s20  }
0x9f: {  	s4 =	ssub.s32 $0x0, s20;
	[sflag:s22] =	ssyncset.done $0x0  }
0xa0: {  	[sflag:s22] =	ssyncadd.s32 s4;
	_ =	sdelay $0x1  }
0xa1: {  	s23 =	simm.s32 $0x1B8B  }
0xa2: {  	_ =	swait.ge [sflag:s23], $0x1  }
0xa3: {  	[sflag:s23] =	ssyncset.done $0x0  }
0xa4: {  	s25 =	simm.s32 $0x1B8E;
	s24 =	sld [smem:$0x3FFE];
	[sflag:s23] =	ssyncadd.s32 $0xFFFFFFFF  }
0xa5: {  	s26 =	simm.s32 $execute0_lowered;
	[smem:$0x3FD2] =	sst s25  }
0xa6: {  	s5 =	sshll.u32 s26, $0x1;
	_ =	strace $0x80000046;
	[dreg:$0x1] =	wrdreg $0xFFFFFFFF  }
0xa7: {  	s28 =	simm.s32 $_size_execute0_lowered;
	s3 =	sadd.s32 s3, s5;
	[dreg:$0x0] =	wrdreg $0x0  }
0xa8: {  	s5 =	sshll.u32 s28, $0x1;
	[dreg:$0x2] =	wrdreg s3  }
0xa9: {  	[dreg:$0x3] =	wrdreg s5  }
0xaa: {  	[dreg:$0x4] =	wrdreg $0xC0  }
0xab: {  	_ =	task [dreg:s7], $0x5FFFF  }
0xac: {  	[dreg:$0x1] =	wrdreg $0xFFFFFFFF  }
0xad: {  	[dreg:$0x0] =	wrdreg $0x60  }
0xae: {  	[dreg:$0x2] =	wrdreg s24  }
0xaf: {  	[dreg:$0x3] =	wrdreg s2  }
0xb0: {  	[dreg:$0x4] =	wrdreg $0x3800  }
0xb1: {  	[dreg:$0x5] =	wrdreg $0x9  }
0xb2: {  	_ =	task.clear_ibuf [dreg:s7], $0x6FFFF;
	_ =	strace $0x90000046  }
0xb3: {  	s29 =	simm.s32 $0x9;
	_ =	strace $0x80000048  }
0xb4: {  	_ =	swait.ge [sflag:s29], $0x1  }
0xb5: {  	[sflag:s29] =	ssyncadd.s32 $0xFFFFFFFF  }
0xb6: {  	_ =	strace $0x90000048  }
0xb7: {  	_ =	sfence  }
0xb8: {  	s30 =	sld [smem:$0x0];
	_ =	sdelay $0x2  }
0xb9: {  	s31 =	sshll.u32 s1, $0xD;
	s1 =	sshrl.u32 s1, $0x2  }
0xba: {  	s3 =	sand.u32 $0x4000, s31;
	s1 =	sadd.s32 s1, s30  }
0xbb: {  	s0 =	sor.u32 s3, s0;
	s1 =	sshll.u32 s1, $0x11  }
0xbc: {  	s0 =	sor.u32 s1, s0  }
0xbd: {  	s0 =	sadd.s32 $0x8F2B, s0  }
0xbe: {  	[sflag:s0] =	ssyncadd.remote.s32 $0x1  }
0xbf: {  	_ =	sfence.sel $0xFFFF  }
0xc0: {  	[dreg:$0x0] =	wrdreg $0xFFFFFFFF;
	(pc) =	sbr.abs _section_cstart, $3  }
0xc1: {  	[dreg:$0x1] =	wrdreg $0xFFFFFFFF  }
0xc2: {  	_ =	task.clear_ibuf [dreg:s7], $0x2FFFF;
	_ =	strace $0x9FFFFFFF  }
0xc3: {  	(tm) =	ssettm $0x7FFFFFFF  }
tec
execute0_lowered:
.L_overlay_start_1:
0x0: {  	(tag) =	ssettag $0x1  }
0x1: {  	s4 =	rddreg [dreg:$0x0]  }
0x2: {  	s9 =	rddreg [dreg:$0x1]  }
0x3: {  	s1 =	rddreg [dreg:$0x2];
	s2 =	simm.s32 $0x0  }
0x4: {  	s5 =	srdreg.scid;
	s3 =	stileid.u32;
	s16 =	simm.s32 $0x1  }
0x5: {  	s17 =	simm.s32 $0x78;
	s18 =	simm.s32 $0x80;
	s19 =	simm.s32 $0x300  }
0x6: {  	s20 =	simm.s32 $0x5;
	s21 =	simm.s32 $0x2;
	s22 =	simm.s32 $0x180  }
0x7: {  	s23 =	simm.s32 $0x3;
	s24 =	simm.s32 $0x280;
	s26 =	simm.s32 $0x20  }
0x8: {  	s28 =	simm.s32 $0x10;
	s29 =	simm.s32 $0x0;
	[smem:$0x7FF] =	sst s2  }
0x9: {  	s11 =	sadd.s32 $0x2800, s4;
	s8 =	sand.u32 $0x1, s5;
	s7 =	smul.u32 $0xA00, s3  }
0xa: {  	s4 =	sadd.s32 $0x17800, s4;
	s25 =	sshll.u32 s3, $0x6;
	s13 =	smul.u32 $0x500, s3  }
0xb: {  	s15 =	smul.u32 $0xA80, s3;
	_ =	strace $0x80000047;
	s5 =	ssub.s32 $0x2, s8  }
0xc: {  	s6 =	sshll.u32 s8, $0x4;
	s14 =	sshll.u32 s8, $0x7;
	s31 =	smul.u32 $0xA800, s8  }
0xd: {  	s10 =	sshrl.u32 s5, $0x1;
	s6 =	sor.u32 s3, s6;
	s30 =	sshrl.u32 s7, $0x2  }
0xe: {  	s13 =	sor.u32 s14, s13;
	s14 =	simm.s32 $0x200;
	s10 =	ssub.s32 s5, s10  }
0xf: {  	s6 =	smul.u32 $0xA80, s6;
	s12 =	sadd.s32 s30, s1;
	s13 =	sshrl.u32 s13, $0x3  }
0x10: {  	s5 =	sor.u32 $0x1C04, s25;
	s25 =	sor.u32 $0x1C05, s25;
	s9 =	sadd.s32 s9, s13  }
0x11: {  	s10 =	smax.u32 s10, $0x1;
	s12 =	sshrl.u32 s12, $0x3;
	s6 =	sadd.s32 s11, s6  }
0x12: {  	s13 =	simm.s32 $0x100;
	s11 =	sadd.s32 s31, s11;
	s7 =	sadd.s32 $0x20, s6  }
0x13: {  	v0 =	vimm.f32 $1.000000000e+00;
	s8 =	sadd.s32 $0x40, s6;
	s11 =	sadd.s32 s15, s11;
	s15 =	simm.s32 $0x4  }
.LBB2_1:
0x14: {  	[spmem:s12], [sflag:s5] =	dma.local [hbm:s4], $0x50  }
0x15: {  	[tilespmem:s2], [sflag:$0x1] =	stream.linear.gather [hbm4b:s6+s2], $0x100, $0x38;
	[tilespmem:$0x600] =	vst v63  }
0x16: {  	_ = 	snop  }
0x17: {  	[tilespmem:s13], [sflag:$0x2] =	stream.linear.gather [hbm4b:s7+s2], $0x100, $0x38;
	[tilespmem:$0x600] =	vst v63  }
0x18: {  	_ = 	snop  }
0x19: {  	[tilespmem:s14], [sflag:$0x3] =	stream.linear.gather [hbm4b:s8+s2], $0x100, $0x38;
	[tilespmem:$0x600] =	vst v63  }
0x1a: {  	[tilespmem:$0x300] =	vst v0  }
0x1b: {  	[tilespmem:$0x310] =	vst v0  }
0x1c: {  	[tilespmem:$0x320] =	vst v0  }
0x1d: {  	[tilespmem:$0x330] =	vst v0  }
0x1e: {  	[tilespmem:$0x340] =	vst v0  }
0x1f: {  	[tilespmem:$0x350] =	vst v0  }
0x20: {  	[tilespmem:$0x360] =	vst v0  }
0x21: {  	[tilespmem:$0x370] =	vst v0  }
0x22: {  	_ =	swait.ge [sflag:s15], $0x50  }
0x23: {  	[sflag:s15] =	ssyncset.done $0x0  }
0x24: {  	[sflag:s15] =	ssyncadd.s32 $0xFFFFFFB0  }
0x25: {  	[bflag:$0x0] =	sbarrier.arrive $0xFFFF  }
0x26: {  	_ =	swait.ge [sflag:s16], $0x100  }
0x27: {  	[sflag:s16] =	ssyncset.done $0x0  }
0x28: {  	[sflag:s16] =	ssyncadd.s32 $0xFFFFFF00  }
0x29: {  	[spmem:s1] =	stream.indirect.scatter.add.f32 [tilespmem:s19], [sflag:$0x5], $0x1, s18, s17, $0xb8;
	[tilespmem:$0x600] =	vst v63  }
0x2a: {  	_ =	swait.ge [sflag:s20], $0x78  }
0x2b: {  	s31 =	sadd.s32 $0xFFFFF5E0, s11;
	[sflag:s20] =	ssyncset.done $0x0  }
0x2c: {  	s30 =	sadd.s32 $0xA80, s31;
	[sflag:s20] =	ssyncadd.s32 $0xFFFFFF88  }
0x2d: {  	[tilespmem:s2], [sflag:$0x1] =	stream.linear.gather [hbm4b:s30+s2], $0x100, $0x38;
	[tilespmem:$0x600] =	vst v63  }
0x2e: {  	_ =	swait.ge [sflag:s21], $0x100  }
0x2f: {  	[sflag:s21] =	ssyncset.done $0x0  }
0x30: {  	[sflag:s21] =	ssyncadd.s32 $0xFFFFFF00  }
0x31: {  	[spmem:s1] =	stream.indirect.scatter.add.f32 [tilespmem:s19], [sflag:$0x5], $0x1, s22, s17, $0xb8;
	[tilespmem:$0x600] =	vst v63  }
0x32: {  	_ =	swait.ge [sflag:s20], $0x78  }
0x33: {  	[sflag:s20] =	ssyncset.done $0x0  }
0x34: {  	s30 =	sadd.s32 $0xAA0, s31;
	[sflag:s20] =	ssyncadd.s32 $0xFFFFFF88  }
0x35: {  	[tilespmem:s13], [sflag:$0x2] =	stream.linear.gather [hbm4b:s30+s2], $0x100, $0x38;
	[tilespmem:$0x600] =	vst v63  }
0x36: {  	_ =	swait.ge [sflag:s23], $0x100  }
0x37: {  	[sflag:s23] =	ssyncset.done $0x0  }
0x38: {  	[sflag:s23] =	ssyncadd.s32 $0xFFFFFF00  }
0x39: {  	[spmem:s1] =	stream.indirect.scatter.add.f32 [tilespmem:s19], [sflag:$0x5], $0x1, s24, s17, $0xb8;
	[tilespmem:$0x600] =	vst v63  }
0x3a: {  	_ =	swait.ge [sflag:s20], $0x78  }
0x3b: {  	[sflag:s20] =	ssyncset.done $0x0  }
0x3c: {  	s31 =	sadd.s32 $0xAC0, s31;
	s30 =	simm.s32 $0xFFFFF640;
	[sflag:s20] =	ssyncadd.s32 $0xFFFFFF88  }
.LBB2_2:
0x3d: {  	[tilespmem:s14], [sflag:$0x3] =	stream.linear.gather [hbm4b:s31+s2], $0x100, $0x38;
	[tilespmem:$0x600] =	vst v63  }
0x3e: {  	s31 =	smov.u32 s30  }
0x3f: {  	p0 =	sne.s32 s30, $0xFFFFFFA0;
	s30 =	sadd.s32 $0x60, s30;
	_ =	swait.ge [sflag:s16], $0x100  }
0x40: {  	[sflag:s16] =	ssyncset.done $0x0  }
0x41: {  	[sflag:s16] =	ssyncadd.s32 $0xFFFFFF00  }
0x42: {  	[spmem:s1] =	stream.indirect.scatter.add.f32 [tilespmem:s19], [sflag:$0x5], $0x1, s18, s17, $0xb8;
	[tilespmem:$0x600] =	vst v63  }
0x43: {  	_ =	swait.ge [sflag:s20], $0x78  }
0x44: {  	s31 =	sadd.s32 s31, s11;
	[sflag:s20] =	ssyncset.done $0x0  }
0x45: {  	s0 =	sadd.s32 $0xA80, s31;
	[sflag:s20] =	ssyncadd.s32 $0xFFFFFF88  }
0x46: {  	[tilespmem:s2], [sflag:$0x1] =	stream.linear.gather [hbm4b:s0+s2], $0x100, $0x38;
	[tilespmem:$0x600] =	vst v63  }
0x47: {  	_ =	swait.ge [sflag:s21], $0x100  }
0x48: {  	[sflag:s21] =	ssyncset.done $0x0  }
0x49: {  	[sflag:s21] =	ssyncadd.s32 $0xFFFFFF00  }
0x4a: {  	[spmem:s1] =	stream.indirect.scatter.add.f32 [tilespmem:s19], [sflag:$0x5], $0x1, s22, s17, $0xb8;
	[tilespmem:$0x600] =	vst v63  }
0x4b: {  	_ =	swait.ge [sflag:s20], $0x78  }
0x4c: {  	[sflag:s20] =	ssyncset.done $0x0  }
0x4d: {  	s0 =	sadd.s32 $0xAA0, s31;
	[sflag:s20] =	ssyncadd.s32 $0xFFFFFF88  }
0x4e: {  	[tilespmem:s13], [sflag:$0x2] =	stream.linear.gather [hbm4b:s0+s2], $0x100, $0x38;
	[tilespmem:$0x600] =	vst v63  }
0x4f: {  	_ =	swait.ge [sflag:s23], $0x100  }
0x50: {  	[sflag:s23] =	ssyncset.done $0x0  }
.Ltmp0:
0x51: {  	[sflag:s23] =	ssyncadd.s32 $0xFFFFFF00;
	(pc) =	sbr.rel @p0 .LBB2_2-.Ltmp0, $4  }
0x52: {  	[spmem:s1] =	stream.indirect.scatter.add.f32 [tilespmem:s19], [sflag:$0x5], $0x1, s24, s17, $0xb8;
	[tilespmem:$0x600] =	vst v63  }
0x53: {  	_ =	swait.ge [sflag:s20], $0x78  }
0x54: {  	[sflag:s20] =	ssyncset.done $0x0  }
0x55: {  	s31 =	sadd.s32 $0xAC0, s31;
	[sflag:s20] =	ssyncadd.s32 $0xFFFFFF88  }
0x56: {  	[tilespmem:s14], [sflag:$0x3] =	stream.linear.gather [hbm4b:s31+s2], $0x100, $0x38;
	[tilespmem:$0x600] =	vst v63  }
0x57: {  	_ =	swait.ge [sflag:s16], $0x100  }
0x58: {  	[sflag:s16] =	ssyncset.done $0x0  }
0x59: {  	[sflag:s16] =	ssyncadd.s32 $0xFFFFFF00  }
0x5a: {  	[spmem:s1] =	stream.indirect.scatter.add.f32 [tilespmem:s19], [sflag:$0x5], $0x1, s18, s17, $0xb8;
	[tilespmem:$0x600] =	vst v63  }
0x5b: {  	_ =	swait.ge [sflag:s20], $0x78  }
0x5c: {  	[sflag:s20] =	ssyncset.done $0x0  }
0x5d: {  	[sflag:s20] =	ssyncadd.s32 $0xFFFFFF88  }
0x5e: {  	_ =	swait.ge [sflag:s21], $0x100  }
0x5f: {  	[sflag:s21] =	ssyncset.done $0x0  }
0x60: {  	[sflag:s21] =	ssyncadd.s32 $0xFFFFFF00  }
0x61: {  	[spmem:s1] =	stream.indirect.scatter.add.f32 [tilespmem:s19], [sflag:$0x5], $0x1, s22, s17, $0xb8;
	[tilespmem:$0x600] =	vst v63  }
0x62: {  	_ =	swait.ge [sflag:s20], $0x78  }
0x63: {  	[sflag:s20] =	ssyncset.done $0x0  }
0x64: {  	[sflag:s20] =	ssyncadd.s32 $0xFFFFFF88  }
0x65: {  	_ =	swait.ge [sflag:s23], $0x100  }
0x66: {  	[sflag:s23] =	ssyncset.done $0x0  }
0x67: {  	[sflag:s23] =	ssyncadd.s32 $0xFFFFFF00  }
0x68: {  	[spmem:s1] =	stream.indirect.scatter.add.f32 [tilespmem:s19], [sflag:$0x5], $0x1, s24, s17, $0xb8;
	[tilespmem:$0x600] =	vst v63  }
0x69: {  	_ =	swait.ge [sflag:s20], $0x78  }
0x6a: {  	s29 =	sadd.s32 $0x1, s29;
	[sflag:s20] =	ssyncset.done $0x0  }
0x6b: {  	p0 =	sne.s32 s29, s10;
	[sflag:s20] =	ssyncadd.s32 $0xFFFFFF88  }
.Ltmp1:
0x6c: {  	[bflag:$0x0] =	sbarrier.arrive $0xFFFF;
	(pc) =	sbr.rel @p0 .LBB2_1-.Ltmp1, $4  }
0x6d: {  	[hbm:s9@s26], [sflag:s25] =	dma.strided [spmem:s12@s28], $0x50, s16, $0x10   }
0x6e: {  	_ =	swait.ge [sflag:s20], $0x50  }
0x6f: {  	[sflag:s20] =	ssyncset.done $0x0  }
0x70: {  	[sflag:s20] =	ssyncadd.s32 $0xFFFFFFB0  }
0x71: {  	_ =	sfence.sel $0x180000  }
0x72: {  	[bflag:$0x0] =	sbarrier.arrive $0xFFFF  }
0x73: {  	_ =	strace $0x90000047  }
0x74: {  	[bflag:$0x2] =	sbarrier.arrive $0xFFFF  }
0x75: {  	p0 =	sne.s32 s3, $0x0;
	s0 =	rddreg [dreg:$0x3]  }
0x76: {  	s0 =	sadd.s32 @!p0 $0x100000, s0  }
0x77: {  	[sflag:s0] =	ssyncadd.tile.s32 @!p0 $0x1;
	_ =	shalt  }
.Lfunc_end2:
_tile_overlayer_lowered:
.L_overlay_start_2:
0x78: {  	(tag) =	ssettag $0x2  }
0x79: {  	s0 =	rddreg [dreg:$0x0];
	s2 =	stileid.u32  }
0x7a: {  	s1 =	rddreg [dreg:$0x1];
	p0 =	sne.s32 s2, $0x0  }
0x7b: {  	s3 =	rddreg [dreg:$0x2];
	[bflag:$0x3] =	sbarrier.arrive $0xFFFF;
	s2 =	simm.s32 @!p0 $0x1C05  }
0x7c: {  	[timem:s3], [sflag:s2] =	dma.local @!p0 [hbm:s0], s1  }
0x7d: {  	s0 =	simm.s32 @!p0 $0x5  }
0x7e: {  	_ =	swait.ge @!p0 [sflag:s0], s1  }
0x7f: {  	s1 =	ssub.s32 @!p0 $0x0, s1;
	[sflag:s0] =	ssyncset.done @!p0 $0x0  }
0x80: {  	[sflag:s0] =	ssyncadd.s32 @!p0 s1  }
0x81: {  	[bflag:$0x3] =	sbarrier.arrive $0xFFFF  }
0x82: {  	_ =	shalt  }

</sc_bundles>
